<compile_context>
chip_gen: v7x
topology: tpu7x:2x2x1
jax: 0.10.2.dev20260603
libtpu: 0.0.44.dev20260713+nightly
codegen_flags: <defaults>
</compile_context>

<pallas_src>
import functools

import jax
import jax.numpy as jnp
from jax import lax
from jax.experimental import pallas as pl
from jax.experimental.pallas import tpu as pltpu
from jax.experimental.pallas import tpu_sc as plsc

N = 10000
D = 128
H = 64
E = 320000
NPAD = 10240
NC = 2
NS = 16
NW = NC * NS
EPW = E // NW
BE = 80
EPWP = 10000
NBLK = EPWP // BE
RB = 1024
NRB = NPAD // RB

VIEW_RELS = [3, 2, 2, 2, 1, 1, 1]
NREL = 12
VIEW_OF_REL = [0, 0, 0, 1, 1, 2, 2, 3, 3, 4, 5, 6]
REL_START = [0, 3, 5, 7, 9, 10, 11]


def _mm_body(x_ref, w_ref, y_ref):
    y_ref[...] = jnp.dot(x_ref[0], w_ref[0],
                         preferred_element_type=jnp.float32)[None]


def _rel_matmul(x_pad, w_rel):
    return pl.pallas_call(
        _mm_body,
        grid=(NREL, NRB),
        in_specs=[
            pl.BlockSpec(
                (1, RB, D),
                lambda r, b: (jnp.where(r < 3, 0,
                                        jnp.where(r < 9, (r - 3) // 2 + 1,
                                                  r - 5)), b, 0)),
            pl.BlockSpec((1, D, H), lambda r, b: (r, 0, 0)),
        ],
        out_specs=pl.BlockSpec((1, RB, H), lambda r, b: (r, b, 0)),
        out_shape=jax.ShapeDtypeStruct((NREL, NPAD, H), jnp.float32),
    )(x_pad, w_rel)


def _sc_body(src_hbm, dst_hbm, y_hbm, z2d_hbm, z1d_hbm, ones_hbm,
             agg_out, deg_out,
             acc_sh, deg_sh, srcb, dstb, rows, ones, sem, ssem, rsem):
    c = lax.axis_index("c")
    s = lax.axis_index("s")
    wid = c * NS + s
    rows_per_tile = NPAD // NS
    my = pl.ds(s * rows_per_tile, rows_per_tile)

    pltpu.sync_copy(ones_hbm, ones)
    for bk in (0, 1):
        pltpu.sync_copy(z2d_hbm, acc_sh.at[bk, my])
        pltpu.sync_copy(z1d_hbm, deg_sh.at[bk, my])
    for (zv, zk) in ((1, 2), (2, 2), (3, 2), (4, 1), (4, 2),
                     (5, 1), (5, 2), (6, 1), (6, 2)):
        pltpu.sync_copy(acc_sh.at[0, my], agg_out.at[zv, zk, c, my])
        pltpu.sync_copy(deg_sh.at[0, my], deg_out.at[zv, zk, c, my])
    plsc.subcore_barrier()

    def _vk_of(r):
        v_r = jnp.where(r < 3, 0,
                        jnp.where(r < 9, (r - 3) // 2 + 1, r - 5))
        k_r = jnp.where(r < 3, r, jnp.where(r < 9, (r - 3) % 2, 0))
        return v_r, k_r

    def rel_body(r, carry):
        bank = r % 2

        @pl.when(r >= 2)
        def _():
            v_p, k_p = _vk_of(r - 2)
            pltpu.make_async_copy(acc_sh.at[bank, my],
                                  agg_out.at[v_p, k_p, c, my], rsem).wait()
            pltpu.make_async_copy(deg_sh.at[bank, my],
                                  deg_out.at[v_p, k_p, c, my], rsem).wait()
            pltpu.sync_copy(z2d_hbm, acc_sh.at[bank, my])
            pltpu.sync_copy(z1d_hbm, deg_sh.at[bank, my])

        pltpu.sync_copy(src_hbm.at[r, wid], srcb)
        pltpu.sync_copy(dst_hbm.at[r, wid], dstb)
        plsc.subcore_barrier()

        pltpu.async_copy(y_hbm.at[srcb.at[0]], rows.at[0], sem)
        pltpu.async_copy(y_hbm.at[srcb.at[1]], rows.at[1], sem)

        def blk_body(j, carry2):
            b = j % 3
            pltpu.make_async_copy(y_hbm.at[srcb.at[j]], rows.at[b], sem).wait()
            pltpu.async_copy(rows.at[b], acc_sh.at[bank].at[dstb.at[j]],
                             ssem, add=True)
            pltpu.async_copy(ones.at[j], deg_sh.at[bank].at[dstb.at[j]],
                             ssem, add=True)

            @pl.when(j + 2 < NBLK)
            def _():
                @pl.when(j >= 1)
                def _():
                    pltpu.make_async_copy(
                        rows.at[(j - 1) % 3],
                        acc_sh.at[bank].at[dstb.at[j - 1]], ssem).wait()
                    pltpu.make_async_copy(
                        ones.at[j - 1], deg_sh.at[bank].at[dstb.at[j - 1]],
                        ssem).wait()
                pltpu.async_copy(y_hbm.at[srcb.at[j + 2]],
                                 rows.at[(j + 2) % 3], sem)

            return carry2

        lax.fori_loop(0, NBLK, blk_body, 0)
        for t in (NBLK - 3, NBLK - 2, NBLK - 1):
            pltpu.make_async_copy(rows.at[t % 3],
                                  acc_sh.at[bank].at[dstb.at[t]], ssem).wait()
            pltpu.make_async_copy(ones.at[t], deg_sh.at[bank].at[dstb.at[t]],
                                  ssem).wait()
        plsc.subcore_barrier()

        v_r, k_r = _vk_of(r)
        pltpu.async_copy(acc_sh.at[bank, my], agg_out.at[v_r, k_r, c, my],
                         rsem)
        pltpu.async_copy(deg_sh.at[bank, my], deg_out.at[v_r, k_r, c, my],
                         rsem)
        return carry

    lax.fori_loop(0, NREL, rel_body, 0)

    for rr, (v_t, k_t) in ((NREL - 2, (5, 0)), (NREL - 1, (6, 0))):
        pltpu.make_async_copy(acc_sh.at[rr % 2, my],
                              agg_out.at[v_t, k_t, c, my], rsem).wait()
        pltpu.make_async_copy(deg_sh.at[rr % 2, my],
                              deg_out.at[v_t, k_t, c, my], rsem).wait()


def _sc_segment_sums(src_all, dst_all, y_flat):
    rows_per_tile = NPAD // NS
    mesh = plsc.VectorSubcoreMesh(core_axis_name="c", subcore_axis_name="s",
                                  num_cores=NC, num_subcores=NS)
    kern = pl.kernel(
        _sc_body,
        out_type=(
            jax.ShapeDtypeStruct((7, 3, NC, NPAD, H), jnp.float32),
            jax.ShapeDtypeStruct((7, 3, NC, NPAD), jnp.float32),
        ),
        mesh=mesh,
        scratch_types=[
            pltpu.VMEM_SHARED((2, NPAD, H), jnp.float32),
            pltpu.VMEM_SHARED((2, NPAD), jnp.float32),
            pltpu.VMEM((NBLK, BE), jnp.int32),
            pltpu.VMEM((NBLK, BE), jnp.int32),
            pltpu.VMEM((3, BE, H), jnp.float32),
            pltpu.VMEM((NBLK, BE), jnp.float32),
            pltpu.SemaphoreType.DMA,
            pltpu.SemaphoreType.DMA,
            pltpu.SemaphoreType.DMA,
        ],
        compiler_params=pltpu.CompilerParams(use_tc_tiling_on_sc=False),
    )
    z2d = jnp.zeros((rows_per_tile, H), jnp.float32)
    z1d = jnp.zeros((rows_per_tile,), jnp.float32)
    ones = jnp.ones((NBLK, BE), jnp.float32)
    return kern(src_all, dst_all, y_flat, z2d, z1d, ones)


def _fin_body(x_ref, ws_ref, agg_ref, deg_ref, out_ref):
    h = jnp.dot(x_ref[0], ws_ref[0], preferred_element_type=jnp.float32)
    for k in range(3):
        a = agg_ref[0, k, 0] + agg_ref[0, k, 1]
        d = deg_ref[0, k, 0] + deg_ref[0, k, 1]
        h = h + a / jnp.maximum(d, 1.0)[:, None]
    out_ref[0] = h * (1.0 / (1.0 + jnp.exp(-h)))


def _finish_all(x_pad, w_self_all, agg, deg):
    return pl.pallas_call(
        _fin_body,
        grid=(7, NRB),
        in_specs=[
            pl.BlockSpec((1, RB, D), lambda v, b: (v, b, 0)),
            pl.BlockSpec((1, D, H), lambda v, b: (v, 0, 0)),
            pl.BlockSpec((1, 3, NC, RB, H), lambda v, b: (v, 0, 0, b, 0)),
            pl.BlockSpec((1, 3, NC, RB), lambda v, b: (v, 0, 0, b)),
        ],
        out_specs=pl.BlockSpec((1, RB, H), lambda v, b: (v, b, 0)),
        out_shape=jax.ShapeDtypeStruct((7, NPAD, H), jnp.float32),
    )(x_pad, w_self_all, agg, deg)


def kernel(x_coarse, ei_coarse_gene, ei_coarse_methy, ei_coarse_mirna,
           W_coarse_self, W_coarse_gene, W_coarse_methy, W_coarse_mirna,
           x_medium1, ei_medium1_gene, ei_medium1_methy,
           W_medium1_self, W_medium1_gene, W_medium1_methy,
           x_medium2, ei_medium2_gene, ei_medium2_mirna,
           W_medium2_self, W_medium2_gene, W_medium2_mirna,
           x_medium3, ei_medium3_methy, ei_medium3_mirna,
           W_medium3_self, W_medium3_methy, W_medium3_mirna,
           x_fine1, ei_fine1_gene, W_fine1_self, W_fine1_gene,
           x_fine2, ei_fine2_methy, W_fine2_self, W_fine2_methy,
           x_fine3, ei_fine3_mirna, W_fine3_self, W_fine3_mirna):
    xs = [x_coarse, x_medium1, x_medium2, x_medium3, x_fine1, x_fine2, x_fine3]
    eis = [ei_coarse_gene, ei_coarse_methy, ei_coarse_mirna,
           ei_medium1_gene, ei_medium1_methy,
           ei_medium2_gene, ei_medium2_mirna,
           ei_medium3_methy, ei_medium3_mirna,
           ei_fine1_gene, ei_fine2_methy, ei_fine3_mirna]
    w_selfs = [W_coarse_self, W_medium1_self, W_medium2_self, W_medium3_self,
               W_fine1_self, W_fine2_self, W_fine3_self]
    w_rels = [W_coarse_gene, W_coarse_methy, W_coarse_mirna,
              W_medium1_gene, W_medium1_methy,
              W_medium2_gene, W_medium2_mirna,
              W_medium3_methy, W_medium3_mirna,
              W_fine1_gene, W_fine2_methy, W_fine3_mirna]

    x_pad = jnp.pad(jnp.stack(xs), ((0, 0), (0, NPAD - N), (0, 0)))
    w_rel = jnp.stack(w_rels)

    y = _rel_matmul(x_pad, w_rel)
    y_flat = y.reshape(NREL * NPAD, H)

    ei = jnp.stack(eis)
    rel_off = (jnp.arange(NREL, dtype=jnp.int32) * NPAD)[:, None, None]
    src = ei[:, 0, :].reshape(NREL, NW, EPW)
    dst = ei[:, 1, :].reshape(NREL, NW, EPW)
    pad = ((0, 0), (0, 0), (0, EPWP - EPW))
    src_all = (jnp.pad(src, pad) + rel_off).reshape(NREL, NW, NBLK, BE)
    dst_pad = N + jnp.arange(EPWP - EPW, dtype=jnp.int32)
    dst_p = jnp.concatenate(
        [dst, jnp.broadcast_to(dst_pad, (NREL, NW, EPWP - EPW))], axis=2)
    dst_all = dst_p.reshape(NREL, NW, NBLK, BE)

    agg, deg = _sc_segment_sums(src_all, dst_all, y_flat)

    out = _finish_all(x_pad, jnp.stack(w_selfs), agg, deg)
    return out[:, :N, :]

# --- scband reference (transcript-rebuilt; emitter-appended) ---
"""Pipeline reference for scband-he-co-38663295599089 (READ-ONLY COPY).

The authoritative reference and input builder live on the scoring server;
editing this copy changes nothing except your own understanding.
"""

import jax, jax.numpy as jnp
import numpy as np

N = 10000
D = 128
H = 64
E = 320000
VIEWS = [("coarse", ["gene", "methy", "mirna"]), ("medium1", ["gene", "methy"]), ("medium2", ["gene", "mirna"]), ("medium3", ["methy", "mirna"]), ("fine1", ["gene"]), ("fine2", ["methy"]), ("fine3", ["mirna"])]


def setup_inputs(seed: int = 0):
    key = jax.random.key(seed)
    ks = jax.random.split(key, 64)
    i = 0
    inp = {}
    for v, rels in VIEWS:
        inp["x_" + v] = jax.random.normal(ks[i], (N, D), jnp.float32); i += 1
        for r in rels:
            inp["ei_%s_%s" % (v, r)] = jax.random.randint(ks[i], (2, E), 0, N); i += 1
        inp["W_%s_self" % v] = jax.random.normal(ks[i], (D, H), jnp.float32) * 0.05; i += 1
        for r in rels:
            inp["W_%s_%s" % (v, r)] = jax.random.normal(ks[i], (D, H), jnp.float32) * 0.05; i += 1
    return inp


def _rgcn_view(x, eis, W_self, W_rels):
    # Relational GCN layer: per-relation mean aggregation + per-relation linear,
    # plus self-loop transform; HeCo.encode_view applies SiLU on top.
    out = x @ W_self
    for ei, W in zip(eis, W_rels):
        src = ei[0]
        dst = ei[1]
        msg = jnp.take(x, src, axis=0)
        agg = jax.ops.segment_sum(msg, dst, num_segments=x.shape[0])
        deg = jax.ops.segment_sum(jnp.ones((ei.shape[1],), jnp.float32), dst, num_segments=x.shape[0])
        agg = agg / jnp.clip(deg, 1.0)[:, None]
        out = out + agg @ W
    return jax.nn.silu(out)


def reference(
    x_coarse, ei_coarse_gene, ei_coarse_methy, ei_coarse_mirna,
    W_coarse_self, W_coarse_gene, W_coarse_methy, W_coarse_mirna,
    x_medium1, ei_medium1_gene, ei_medium1_methy,
    W_medium1_self, W_medium1_gene, W_medium1_methy,
    x_medium2, ei_medium2_gene, ei_medium2_mirna,
    W_medium2_self, W_medium2_gene, W_medium2_mirna,
    x_medium3, ei_medium3_methy, ei_medium3_mirna,
    W_medium3_self, W_medium3_methy, W_medium3_mirna,
    x_fine1, ei_fine1_gene, W_fine1_self, W_fine1_gene,
    x_fine2, ei_fine2_methy, W_fine2_self, W_fine2_methy,
    x_fine3, ei_fine3_mirna, W_fine3_self, W_fine3_mirna,
):
    kw = dict(locals())
    outs = []
    for v, rels in VIEWS:
        z = _rgcn_view(
            kw["x_" + v],
            [kw["ei_%s_%s" % (v, r)] for r in rels],
            kw["W_%s_self" % v],
            [kw["W_%s_%s" % (v, r)] for r in rels],
        )
        outs.append(z)
    # stack the 7 view embeddings (coarse, medium1-3, fine1-3)
    return jnp.stack(outs, axis=0)

if __name__ == "__main__":
    import jax
    _d = setup_inputs()
    print(jax.jit(kernel)(*tuple(_d.values())))

</pallas_src>

<mosaic_0001>
#map = affine_map<(d0, d1) -> (0, 0, 0, 0)>
#map1 = affine_map<(d0, d1) -> (0, 0)>
#map2 = affine_map<(d0, d1) -> (0)>
#map3 = affine_map<(d0, d1) -> (0, 0, 0, 0, 0)>
module attributes {stable_mosaic.version = 14 : i64} {
  func.func @_sc_body(%arg0: i32, %arg1: i32, %arg2: memref<12x32x125x80xi32, #tpu.memory_space<hbm>>, %arg3: memref<12x32x125x80xi32, #tpu.memory_space<hbm>>, %arg4: memref<122880x64xf32, #tpu.memory_space<hbm>>, %arg5: memref<640x64xf32, #tpu.memory_space<hbm>>, %arg6: memref<640xf32, #tpu.memory_space<hbm>>, %arg7: memref<125x80xf32, #tpu.memory_space<hbm>>, %arg8: memref<7x3x2x10240x64xf32, #tpu.memory_space<hbm>>, %arg9: memref<7x3x2x10240xf32, #tpu.memory_space<hbm>>, %arg10: memref<2x10240x64xf32, #tpu.memory_space<vmem_shared>>, %arg11: memref<2x10240xf32, #tpu.memory_space<vmem_shared>>, %arg12: memref<125x80xi32, #tpu.memory_space<vmem>>, %arg13: memref<125x80xi32, #tpu.memory_space<vmem>>, %arg14: memref<3x80x64xf32, #tpu.memory_space<vmem>>, %arg15: memref<125x80xf32, #tpu.memory_space<vmem>>, %arg16: memref<!tpu.dma_semaphore, #tpu.memory_space<semaphore_mem>>, %arg17: memref<!tpu.dma_semaphore, #tpu.memory_space<semaphore_mem>>, %arg18: memref<!tpu.dma_semaphore, #tpu.memory_space<semaphore_mem>>) attributes {dimension_semantics = [#tpu.dimension_semantics<core_parallel>, #tpu.dimension_semantics<subcore_parallel>], iteration_bounds = array<i64: 2, 16>, scalar_prefetch = 0 : i64, scratch_operands = 9 : i64, tpu.core_type = #tpu.core_type<sc_vector_subcore>, window_params = [{transform_indices = #map}, {transform_indices = #map}, {transform_indices = #map1}, {transform_indices = #map1}, {transform_indices = #map2}, {transform_indices = #map1}, {transform_indices = #map3}, {transform_indices = #map}]} {
    %mul3A = arith.constant 16 : i32
    %mul3A_0 = arith.muli %arg0, %mul3A : i32
    %add3A = arith.addi %mul3A_0, %arg1 : i32
    %mul3A_1 = arith.constant 640 : i32
    %mul3A_2 = arith.muli %arg1, %mul3A_1 : i32
    "tpu.region"() ({
      %run_scoped3A_96 = tpu.sem_alloc : memref<!tpu.dma_semaphore, #tpu.memory_space<semaphore_mem>>
      tpu.enqueue_dma source(%arg7 : memref<125x80xf32, #tpu.memory_space<hbm>>) target(%arg15 : memref<125x80xf32, #tpu.memory_space<vmem>>) target_semaphore(%run_scoped3A_96 : memref<!tpu.dma_semaphore, #tpu.memory_space<semaphore_mem>>)
      tpu.wait_dma2 semaphore(%run_scoped3A_96 : memref<!tpu.dma_semaphore, #tpu.memory_space<semaphore_mem>>) src(%arg7 : memref<125x80xf32, #tpu.memory_space<hbm>>) dst(%arg15 : memref<125x80xf32, #tpu.memory_space<vmem>>)
      tpu.yield
    }) : () -> ()
    %run_scoped3A = arith.constant 0 : i32
    "tpu.region"() ({
      %run_scoped3A_96 = tpu.sem_alloc : memref<!tpu.dma_semaphore, #tpu.memory_space<semaphore_mem>>
      %dma_start3A = arith.constant 0 : i32
      %dma_start3A_97 = tpu.memref_slice %arg10[%run_scoped3A, %mul3A_2, %dma_start3A] : memref<2x10240x64xf32, #tpu.memory_space<vmem_shared>> -> memref<1x640x64xf32, #tpu.memory_space<vmem_shared>>
      %dma_start3A_98 = tpu.memref_squeeze %dma_start3A_97 : memref<1x640x64xf32, #tpu.memory_space<vmem_shared>> -> memref<640x64xf32, #tpu.memory_space<vmem_shared>>
      tpu.enqueue_dma source(%arg5 : memref<640x64xf32, #tpu.memory_space<hbm>>) target(%dma_start3A_98 : memref<640x64xf32, #tpu.memory_space<vmem_shared>>) target_semaphore(%run_scoped3A_96 : memref<!tpu.dma_semaphore, #tpu.memory_space<semaphore_mem>>)
      %dma_wait3A_99 = arith.constant 0 : i32
      %dma_wait3A_100 = tpu.memref_slice %arg10[%run_scoped3A, %mul3A_2, %dma_wait3A_99] : memref<2x10240x64xf32, #tpu.memory_space<vmem_shared>> -> memref<1x640x64xf32, #tpu.memory_space<vmem_shared>>
      %dma_wait3A_101 = tpu.memref_squeeze %dma_wait3A_100 : memref<1x640x64xf32, #tpu.memory_space<vmem_shared>> -> memref<640x64xf32, #tpu.memory_space<vmem_shared>>
      tpu.wait_dma2 semaphore(%run_scoped3A_96 : memref<!tpu.dma_semaphore, #tpu.memory_space<semaphore_mem>>) src(%arg5 : memref<640x64xf32, #tpu.memory_space<hbm>>) dst(%dma_wait3A_101 : memref<640x64xf32, #tpu.memory_space<vmem_shared>>)
      tpu.yield
    }) : () -> ()
    %run_scoped3A_3 = arith.constant 0 : i32
    "tpu.region"() ({
      %run_scoped3A_96 = tpu.sem_alloc : memref<!tpu.dma_semaphore, #tpu.memory_space<semaphore_mem>>
      %dma_start3A = tpu.memref_slice %arg11[%run_scoped3A_3, %mul3A_2] : memref<2x10240xf32, #tpu.memory_space<vmem_shared>> -> memref<1x640xf32, #tpu.memory_space<vmem_shared>>
      %dma_start3A_97 = tpu.memref_squeeze %dma_start3A : memref<1x640xf32, #tpu.memory_space<vmem_shared>> -> memref<640xf32, #tpu.memory_space<vmem_shared>>
      tpu.enqueue_dma source(%arg6 : memref<640xf32, #tpu.memory_space<hbm>>) target(%dma_start3A_97 : memref<640xf32, #tpu.memory_space<vmem_shared>>) target_semaphore(%run_scoped3A_96 : memref<!tpu.dma_semaphore, #tpu.memory_space<semaphore_mem>>)
      %dma_wait3A_98 = tpu.memref_slice %arg11[%run_scoped3A_3, %mul3A_2] : memref<2x10240xf32, #tpu.memory_space<vmem_shared>> -> memref<1x640xf32, #tpu.memory_space<vmem_shared>>
      %dma_wait3A_99 = tpu.memref_squeeze %dma_wait3A_98 : memref<1x640xf32, #tpu.memory_space<vmem_shared>> -> memref<640xf32, #tpu.memory_space<vmem_shared>>
      tpu.wait_dma2 semaphore(%run_scoped3A_96 : memref<!tpu.dma_semaphore, #tpu.memory_space<semaphore_mem>>) src(%arg6 : memref<640xf32, #tpu.memory_space<hbm>>) dst(%dma_wait3A_99 : memref<640xf32, #tpu.memory_space<vmem_shared>>)
      tpu.yield
    }) : () -> ()
    %run_scoped3A_4 = arith.constant 1 : i32
    "tpu.region"() ({
      %run_scoped3A_96 = tpu.sem_alloc : memref<!tpu.dma_semaphore, #tpu.memory_space<semaphore_mem>>
      %dma_start3A = arith.constant 0 : i32
      %dma_start3A_97 = tpu.memref_slice %arg10[%run_scoped3A_4, %mul3A_2, %dma_start3A] : memref<2x10240x64xf32, #tpu.memory_space<vmem_shared>> -> memref<1x640x64xf32, #tpu.memory_space<vmem_shared>>
      %dma_start3A_98 = tpu.memref_squeeze %dma_start3A_97 : memref<1x640x64xf32, #tpu.memory_space<vmem_shared>> -> memref<640x64xf32, #tpu.memory_space<vmem_shared>>
      tpu.enqueue_dma source(%arg5 : memref<640x64xf32, #tpu.memory_space<hbm>>) target(%dma_start3A_98 : memref<640x64xf32, #tpu.memory_space<vmem_shared>>) target_semaphore(%run_scoped3A_96 : memref<!tpu.dma_semaphore, #tpu.memory_space<semaphore_mem>>)
      %dma_wait3A_99 = arith.constant 0 : i32
      %dma_wait3A_100 = tpu.memref_slice %arg10[%run_scoped3A_4, %mul3A_2, %dma_wait3A_99] : memref<2x10240x64xf32, #tpu.memory_space<vmem_shared>> -> memref<1x640x64xf32, #tpu.memory_space<vmem_shared>>
      %dma_wait3A_101 = tpu.memref_squeeze %dma_wait3A_100 : memref<1x640x64xf32, #tpu.memory_space<vmem_shared>> -> memref<640x64xf32, #tpu.memory_space<vmem_shared>>
      tpu.wait_dma2 semaphore(%run_scoped3A_96 : memref<!tpu.dma_semaphore, #tpu.memory_space<semaphore_mem>>) src(%arg5 : memref<640x64xf32, #tpu.memory_space<hbm>>) dst(%dma_wait3A_101 : memref<640x64xf32, #tpu.memory_space<vmem_shared>>)
      tpu.yield
    }) : () -> ()
    %run_scoped3A_5 = arith.constant 1 : i32
    "tpu.region"() ({
      %run_scoped3A_96 = tpu.sem_alloc : memref<!tpu.dma_semaphore, #tpu.memory_space<semaphore_mem>>
      %dma_start3A = tpu.memref_slice %arg11[%run_scoped3A_5, %mul3A_2] : memref<2x10240xf32, #tpu.memory_space<vmem_shared>> -> memref<1x640xf32, #tpu.memory_space<vmem_shared>>
      %dma_start3A_97 = tpu.memref_squeeze %dma_start3A : memref<1x640xf32, #tpu.memory_space<vmem_shared>> -> memref<640xf32, #tpu.memory_space<vmem_shared>>
      tpu.enqueue_dma source(%arg6 : memref<640xf32, #tpu.memory_space<hbm>>) target(%dma_start3A_97 : memref<640xf32, #tpu.memory_space<vmem_shared>>) target_semaphore(%run_scoped3A_96 : memref<!tpu.dma_semaphore, #tpu.memory_space<semaphore_mem>>)
      %dma_wait3A_98 = tpu.memref_slice %arg11[%run_scoped3A_5, %mul3A_2] : memref<2x10240xf32, #tpu.memory_space<vmem_shared>> -> memref<1x640xf32, #tpu.memory_space<vmem_shared>>
      %dma_wait3A_99 = tpu.memref_squeeze %dma_wait3A_98 : memref<1x640xf32, #tpu.memory_space<vmem_shared>> -> memref<640xf32, #tpu.memory_space<vmem_shared>>
      tpu.wait_dma2 semaphore(%run_scoped3A_96 : memref<!tpu.dma_semaphore, #tpu.memory_space<semaphore_mem>>) src(%arg6 : memref<640xf32, #tpu.memory_space<hbm>>) dst(%dma_wait3A_99 : memref<640xf32, #tpu.memory_space<vmem_shared>>)
      tpu.yield
    }) : () -> ()
    %run_scoped3A_6 = arith.constant 0 : i32
    %run_scoped3A_7 = arith.constant 1 : i32
    %run_scoped3A_8 = arith.constant 2 : i32
    "tpu.region"() ({
      %run_scoped3A_96 = tpu.sem_alloc : memref<!tpu.dma_semaphore, #tpu.memory_space<semaphore_mem>>
      %dma_start3A = arith.constant 0 : i32
      %dma_start3A_97 = tpu.memref_slice %arg8[%run_scoped3A_7, %run_scoped3A_8, %arg0, %mul3A_2, %dma_start3A] : memref<7x3x2x10240x64xf32, #tpu.memory_space<hbm>> -> memref<1x1x1x640x64xf32, #tpu.memory_space<hbm>>
      %dma_start3A_98 = tpu.memref_squeeze %dma_start3A_97 : memref<1x1x1x640x64xf32, #tpu.memory_space<hbm>> -> memref<640x64xf32, #tpu.memory_space<hbm>>
      %dma_start3A_99 = arith.constant 0 : i32
      %dma_start3A_100 = tpu.memref_slice %arg10[%run_scoped3A_6, %mul3A_2, %dma_start3A_99] : memref<2x10240x64xf32, #tpu.memory_space<vmem_shared>> -> memref<1x640x64xf32, #tpu.memory_space<vmem_shared>>
      %dma_start3A_101 = tpu.memref_squeeze %dma_start3A_100 : memref<1x640x64xf32, #tpu.memory_space<vmem_shared>> -> memref<640x64xf32, #tpu.memory_space<vmem_shared>>
      tpu.enqueue_dma source(%dma_start3A_101 : memref<640x64xf32, #tpu.memory_space<vmem_shared>>) target(%dma_start3A_98 : memref<640x64xf32, #tpu.memory_space<hbm>>) target_semaphore(%run_scoped3A_96 : memref<!tpu.dma_semaphore, #tpu.memory_space<semaphore_mem>>)
      %dma_wait3A_102 = arith.constant 0 : i32
      %dma_wait3A_103 = tpu.memref_slice %arg8[%run_scoped3A_7, %run_scoped3A_8, %arg0, %mul3A_2, %dma_wait3A_102] : memref<7x3x2x10240x64xf32, #tpu.memory_space<hbm>> -> memref<1x1x1x640x64xf32, #tpu.memory_space<hbm>>
      %dma_wait3A_104 = tpu.memref_squeeze %dma_wait3A_103 : memref<1x1x1x640x64xf32, #tpu.memory_space<hbm>> -> memref<640x64xf32, #tpu.memory_space<hbm>>
      %dma_wait3A_105 = arith.constant 0 : i32
      %dma_wait3A_106 = tpu.memref_slice %arg10[%run_scoped3A_6, %mul3A_2, %dma_wait3A_105] : memref<2x10240x64xf32, #tpu.memory_space<vmem_shared>> -> memref<1x640x64xf32, #tpu.memory_space<vmem_shared>>
      %dma_wait3A_107 = tpu.memref_squeeze %dma_wait3A_106 : memref<1x640x64xf32, #tpu.memory_space<vmem_shared>> -> memref<640x64xf32, #tpu.memory_space<vmem_shared>>
      tpu.wait_dma2 semaphore(%run_scoped3A_96 : memref<!tpu.dma_semaphore, #tpu.memory_space<semaphore_mem>>) src(%dma_wait3A_107 : memref<640x64xf32, #tpu.memory_space<vmem_shared>>) dst(%dma_wait3A_104 : memref<640x64xf32, #tpu.memory_space<hbm>>)
      tpu.yield
    }) : () -> ()
    %run_scoped3A_9 = arith.constant 0 : i32
    %run_scoped3A_10 = arith.constant 1 : i32
    %run_scoped3A_11 = arith.constant 2 : i32
    "tpu.region"() ({
      %run_scoped3A_96 = tpu.sem_alloc : memref<!tpu.dma_semaphore, #tpu.memory_space<semaphore_mem>>
      %dma_start3A = tpu.memref_slice %arg9[%run_scoped3A_10, %run_scoped3A_11, %arg0, %mul3A_2] : memref<7x3x2x10240xf32, #tpu.memory_space<hbm>> -> memref<1x1x1x640xf32, #tpu.memory_space<hbm>>
      %dma_start3A_97 = tpu.memref_squeeze %dma_start3A : memref<1x1x1x640xf32, #tpu.memory_space<hbm>> -> memref<640xf32, #tpu.memory_space<hbm>>
      %dma_start3A_98 = tpu.memref_slice %arg11[%run_scoped3A_9, %mul3A_2] : memref<2x10240xf32, #tpu.memory_space<vmem_shared>> -> memref<1x640xf32, #tpu.memory_space<vmem_shared>>
      %dma_start3A_99 = tpu.memref_squeeze %dma_start3A_98 : memref<1x640xf32, #tpu.memory_space<vmem_shared>> -> memref<640xf32, #tpu.memory_space<vmem_shared>>
      tpu.enqueue_dma source(%dma_start3A_99 : memref<640xf32, #tpu.memory_space<vmem_shared>>) target(%dma_start3A_97 : memref<640xf32, #tpu.memory_space<hbm>>) target_semaphore(%run_scoped3A_96 : memref<!tpu.dma_semaphore, #tpu.memory_space<semaphore_mem>>)
      %dma_wait3A_100 = tpu.memref_slice %arg9[%run_scoped3A_10, %run_scoped3A_11, %arg0, %mul3A_2] : memref<7x3x2x10240xf32, #tpu.memory_space<hbm>> -> memref<1x1x1x640xf32, #tpu.memory_space<hbm>>
      %dma_wait3A_101 = tpu.memref_squeeze %dma_wait3A_100 : memref<1x1x1x640xf32, #tpu.memory_space<hbm>> -> memref<640xf32, #tpu.memory_space<hbm>>
      %dma_wait3A_102 = tpu.memref_slice %arg11[%run_scoped3A_9, %mul3A_2] : memref<2x10240xf32, #tpu.memory_space<vmem_shared>> -> memref<1x640xf32, #tpu.memory_space<vmem_shared>>
      %dma_wait3A_103 = tpu.memref_squeeze %dma_wait3A_102 : memref<1x640xf32, #tpu.memory_space<vmem_shared>> -> memref<640xf32, #tpu.memory_space<vmem_shared>>
      tpu.wait_dma2 semaphore(%run_scoped3A_96 : memref<!tpu.dma_semaphore, #tpu.memory_space<semaphore_mem>>) src(%dma_wait3A_103 : memref<640xf32, #tpu.memory_space<vmem_shared>>) dst(%dma_wait3A_101 : memref<640xf32, #tpu.memory_space<hbm>>)
      tpu.yield
    }) : () -> ()
    %run_scoped3A_12 = arith.constant 0 : i32
    %run_scoped3A_13 = arith.constant 2 : i32
    %run_scoped3A_14 = arith.constant 2 : i32
    "tpu.region"() ({
      %run_scoped3A_96 = tpu.sem_alloc : memref<!tpu.dma_semaphore, #tpu.memory_space<semaphore_mem>>
      %dma_start3A = arith.constant 0 : i32
      %dma_start3A_97 = tpu.memref_slice %arg8[%run_scoped3A_13, %run_scoped3A_14, %arg0, %mul3A_2, %dma_start3A] : memref<7x3x2x10240x64xf32, #tpu.memory_space<hbm>> -> memref<1x1x1x640x64xf32, #tpu.memory_space<hbm>>
      %dma_start3A_98 = tpu.memref_squeeze %dma_start3A_97 : memref<1x1x1x640x64xf32, #tpu.memory_space<hbm>> -> memref<640x64xf32, #tpu.memory_space<hbm>>
      %dma_start3A_99 = arith.constant 0 : i32
      %dma_start3A_100 = tpu.memref_slice %arg10[%run_scoped3A_12, %mul3A_2, %dma_start3A_99] : memref<2x10240x64xf32, #tpu.memory_space<vmem_shared>> -> memref<1x640x64xf32, #tpu.memory_space<vmem_shared>>
      %dma_start3A_101 = tpu.memref_squeeze %dma_start3A_100 : memref<1x640x64xf32, #tpu.memory_space<vmem_shared>> -> memref<640x64xf32, #tpu.memory_space<vmem_shared>>
      tpu.enqueue_dma source(%dma_start3A_101 : memref<640x64xf32, #tpu.memory_space<vmem_shared>>) target(%dma_start3A_98 : memref<640x64xf32, #tpu.memory_space<hbm>>) target_semaphore(%run_scoped3A_96 : memref<!tpu.dma_semaphore, #tpu.memory_space<semaphore_mem>>)
      %dma_wait3A_102 = arith.constant 0 : i32
      %dma_wait3A_103 = tpu.memref_slice %arg8[%run_scoped3A_13, %run_scoped3A_14, %arg0, %mul3A_2, %dma_wait3A_102] : memref<7x3x2x10240x64xf32, #tpu.memory_space<hbm>> -> memref<1x1x1x640x64xf32, #tpu.memory_space<hbm>>
      %dma_wait3A_104 = tpu.memref_squeeze %dma_wait3A_103 : memref<1x1x1x640x64xf32, #tpu.memory_space<hbm>> -> memref<640x64xf32, #tpu.memory_space<hbm>>
      %dma_wait3A_105 = arith.constant 0 : i32
      %dma_wait3A_106 = tpu.memref_slice %arg10[%run_scoped3A_12, %mul3A_2, %dma_wait3A_105] : memref<2x10240x64xf32, #tpu.memory_space<vmem_shared>> -> memref<1x640x64xf32, #tpu.memory_space<vmem_shared>>
      %dma_wait3A_107 = tpu.memref_squeeze %dma_wait3A_106 : memref<1x640x64xf32, #tpu.memory_space<vmem_shared>> -> memref<640x64xf32, #tpu.memory_space<vmem_shared>>
      tpu.wait_dma2 semaphore(%run_scoped3A_96 : memref<!tpu.dma_semaphore, #tpu.memory_space<semaphore_mem>>) src(%dma_wait3A_107 : memref<640x64xf32, #tpu.memory_space<vmem_shared>>) dst(%dma_wait3A_104 : memref<640x64xf32, #tpu.memory_space<hbm>>)
      tpu.yield
    }) : () -> ()
    %run_scoped3A_15 = arith.constant 0 : i32
    %run_scoped3A_16 = arith.constant 2 : i32
    %run_scoped3A_17 = arith.constant 2 : i32
    "tpu.region"() ({
      %run_scoped3A_96 = tpu.sem_alloc : memref<!tpu.dma_semaphore, #tpu.memory_space<semaphore_mem>>
      %dma_start3A = tpu.memref_slice %arg9[%run_scoped3A_16, %run_scoped3A_17, %arg0, %mul3A_2] : memref<7x3x2x10240xf32, #tpu.memory_space<hbm>> -> memref<1x1x1x640xf32, #tpu.memory_space<hbm>>
      %dma_start3A_97 = tpu.memref_squeeze %dma_start3A : memref<1x1x1x640xf32, #tpu.memory_space<hbm>> -> memref<640xf32, #tpu.memory_space<hbm>>
      %dma_start3A_98 = tpu.memref_slice %arg11[%run_scoped3A_15, %mul3A_2] : memref<2x10240xf32, #tpu.memory_space<vmem_shared>> -> memref<1x640xf32, #tpu.memory_space<vmem_shared>>
      %dma_start3A_99 = tpu.memref_squeeze %dma_start3A_98 : memref<1x640xf32, #tpu.memory_space<vmem_shared>> -> memref<640xf32, #tpu.memory_space<vmem_shared>>
      tpu.enqueue_dma source(%dma_start3A_99 : memref<640xf32, #tpu.memory_space<vmem_shared>>) target(%dma_start3A_97 : memref<640xf32, #tpu.memory_space<hbm>>) target_semaphore(%run_scoped3A_96 : memref<!tpu.dma_semaphore, #tpu.memory_space<semaphore_mem>>)
      %dma_wait3A_100 = tpu.memref_slice %arg9[%run_scoped3A_16, %run_scoped3A_17, %arg0, %mul3A_2] : memref<7x3x2x10240xf32, #tpu.memory_space<hbm>> -> memref<1x1x1x640xf32, #tpu.memory_space<hbm>>
      %dma_wait3A_101 = tpu.memref_squeeze %dma_wait3A_100 : memref<1x1x1x640xf32, #tpu.memory_space<hbm>> -> memref<640xf32, #tpu.memory_space<hbm>>
      %dma_wait3A_102 = tpu.memref_slice %arg11[%run_scoped3A_15, %mul3A_2] : memref<2x10240xf32, #tpu.memory_space<vmem_shared>> -> memref<1x640xf32, #tpu.memory_space<vmem_shared>>
      %dma_wait3A_103 = tpu.memref_squeeze %dma_wait3A_102 : memref<1x640xf32, #tpu.memory_space<vmem_shared>> -> memref<640xf32, #tpu.memory_space<vmem_shared>>
      tpu.wait_dma2 semaphore(%run_scoped3A_96 : memref<!tpu.dma_semaphore, #tpu.memory_space<semaphore_mem>>) src(%dma_wait3A_103 : memref<640xf32, #tpu.memory_space<vmem_shared>>) dst(%dma_wait3A_101 : memref<640xf32, #tpu.memory_space<hbm>>)
      tpu.yield
    }) : () -> ()
    %run_scoped3A_18 = arith.constant 0 : i32
    %run_scoped3A_19 = arith.constant 3 : i32
    %run_scoped3A_20 = arith.constant 2 : i32
    "tpu.region"() ({
      %run_scoped3A_96 = tpu.sem_alloc : memref<!tpu.dma_semaphore, #tpu.memory_space<semaphore_mem>>
      %dma_start3A = arith.constant 0 : i32
      %dma_start3A_97 = tpu.memref_slice %arg8[%run_scoped3A_19, %run_scoped3A_20, %arg0, %mul3A_2, %dma_start3A] : memref<7x3x2x10240x64xf32, #tpu.memory_space<hbm>> -> memref<1x1x1x640x64xf32, #tpu.memory_space<hbm>>
      %dma_start3A_98 = tpu.memref_squeeze %dma_start3A_97 : memref<1x1x1x640x64xf32, #tpu.memory_space<hbm>> -> memref<640x64xf32, #tpu.memory_space<hbm>>
      %dma_start3A_99 = arith.constant 0 : i32
      %dma_start3A_100 = tpu.memref_slice %arg10[%run_scoped3A_18, %mul3A_2, %dma_start3A_99] : memref<2x10240x64xf32, #tpu.memory_space<vmem_shared>> -> memref<1x640x64xf32, #tpu.memory_space<vmem_shared>>
      %dma_start3A_101 = tpu.memref_squeeze %dma_start3A_100 : memref<1x640x64xf32, #tpu.memory_space<vmem_shared>> -> memref<640x64xf32, #tpu.memory_space<vmem_shared>>
      tpu.enqueue_dma source(%dma_start3A_101 : memref<640x64xf32, #tpu.memory_space<vmem_shared>>) target(%dma_start3A_98 : memref<640x64xf32, #tpu.memory_space<hbm>>) target_semaphore(%run_scoped3A_96 : memref<!tpu.dma_semaphore, #tpu.memory_space<semaphore_mem>>)
      %dma_wait3A_102 = arith.constant 0 : i32
      %dma_wait3A_103 = tpu.memref_slice %arg8[%run_scoped3A_19, %run_scoped3A_20, %arg0, %mul3A_2, %dma_wait3A_102] : memref<7x3x2x10240x64xf32, #tpu.memory_space<hbm>> -> memref<1x1x1x640x64xf32, #tpu.memory_space<hbm>>
      %dma_wait3A_104 = tpu.memref_squeeze %dma_wait3A_103 : memref<1x1x1x640x64xf32, #tpu.memory_space<hbm>> -> memref<640x64xf32, #tpu.memory_space<hbm>>
      %dma_wait3A_105 = arith.constant 0 : i32
      %dma_wait3A_106 = tpu.memref_slice %arg10[%run_scoped3A_18, %mul3A_2, %dma_wait3A_105] : memref<2x10240x64xf32, #tpu.memory_space<vmem_shared>> -> memref<1x640x64xf32, #tpu.memory_space<vmem_shared>>
      %dma_wait3A_107 = tpu.memref_squeeze %dma_wait3A_106 : memref<1x640x64xf32, #tpu.memory_space<vmem_shared>> -> memref<640x64xf32, #tpu.memory_space<vmem_shared>>
      tpu.wait_dma2 semaphore(%run_scoped3A_96 : memref<!tpu.dma_semaphore, #tpu.memory_space<semaphore_mem>>) src(%dma_wait3A_107 : memref<640x64xf32, #tpu.memory_space<vmem_shared>>) dst(%dma_wait3A_104 : memref<640x64xf32, #tpu.memory_space<hbm>>)
      tpu.yield
    }) : () -> ()
    %run_scoped3A_21 = arith.constant 0 : i32
    %run_scoped3A_22 = arith.constant 3 : i32
    %run_scoped3A_23 = arith.constant 2 : i32
    "tpu.region"() ({
      %run_scoped3A_96 = tpu.sem_alloc : memref<!tpu.dma_semaphore, #tpu.memory_space<semaphore_mem>>
      %dma_start3A = tpu.memref_slice %arg9[%run_scoped3A_22, %run_scoped3A_23, %arg0, %mul3A_2] : memref<7x3x2x10240xf32, #tpu.memory_space<hbm>> -> memref<1x1x1x640xf32, #tpu.memory_space<hbm>>
      %dma_start3A_97 = tpu.memref_squeeze %dma_start3A : memref<1x1x1x640xf32, #tpu.memory_space<hbm>> -> memref<640xf32, #tpu.memory_space<hbm>>
      %dma_start3A_98 = tpu.memref_slice %arg11[%run_scoped3A_21, %mul3A_2] : memref<2x10240xf32, #tpu.memory_space<vmem_shared>> -> memref<1x640xf32, #tpu.memory_space<vmem_shared>>
      %dma_start3A_99 = tpu.memref_squeeze %dma_start3A_98 : memref<1x640xf32, #tpu.memory_space<vmem_shared>> -> memref<640xf32, #tpu.memory_space<vmem_shared>>
      tpu.enqueue_dma source(%dma_start3A_99 : memref<640xf32, #tpu.memory_space<vmem_shared>>) target(%dma_start3A_97 : memref<640xf32, #tpu.memory_space<hbm>>) target_semaphore(%run_scoped3A_96 : memref<!tpu.dma_semaphore, #tpu.memory_space<semaphore_mem>>)
      %dma_wait3A_100 = tpu.memref_slice %arg9[%run_scoped3A_22, %run_scoped3A_23, %arg0, %mul3A_2] : memref<7x3x2x10240xf32, #tpu.memory_space<hbm>> -> memref<1x1x1x640xf32, #tpu.memory_space<hbm>>
      %dma_wait3A_101 = tpu.memref_squeeze %dma_wait3A_100 : memref<1x1x1x640xf32, #tpu.memory_space<hbm>> -> memref<640xf32, #tpu.memory_space<hbm>>
      %dma_wait3A_102 = tpu.memref_slice %arg11[%run_scoped3A_21, %mul3A_2] : memref<2x10240xf32, #tpu.memory_space<vmem_shared>> -> memref<1x640xf32, #tpu.memory_space<vmem_shared>>
      %dma_wait3A_103 = tpu.memref_squeeze %dma_wait3A_102 : memref<1x640xf32, #tpu.memory_space<vmem_shared>> -> memref<640xf32, #tpu.memory_space<vmem_shared>>
      tpu.wait_dma2 semaphore(%run_scoped3A_96 : memref<!tpu.dma_semaphore, #tpu.memory_space<semaphore_mem>>) src(%dma_wait3A_103 : memref<640xf32, #tpu.memory_space<vmem_shared>>) dst(%dma_wait3A_101 : memref<640xf32, #tpu.memory_space<hbm>>)
      tpu.yield
    }) : () -> ()
    %run_scoped3A_24 = arith.constant 0 : i32
    %run_scoped3A_25 = arith.constant 4 : i32
    %run_scoped3A_26 = arith.constant 1 : i32
    "tpu.region"() ({
      %run_scoped3A_96 = tpu.sem_alloc : memref<!tpu.dma_semaphore, #tpu.memory_space<semaphore_mem>>
      %dma_start3A = arith.constant 0 : i32
      %dma_start3A_97 = tpu.memref_slice %arg8[%run_scoped3A_25, %run_scoped3A_26, %arg0, %mul3A_2, %dma_start3A] : memref<7x3x2x10240x64xf32, #tpu.memory_space<hbm>> -> memref<1x1x1x640x64xf32, #tpu.memory_space<hbm>>
      %dma_start3A_98 = tpu.memref_squeeze %dma_start3A_97 : memref<1x1x1x640x64xf32, #tpu.memory_space<hbm>> -> memref<640x64xf32, #tpu.memory_space<hbm>>
      %dma_start3A_99 = arith.constant 0 : i32
      %dma_start3A_100 = tpu.memref_slice %arg10[%run_scoped3A_24, %mul3A_2, %dma_start3A_99] : memref<2x10240x64xf32, #tpu.memory_space<vmem_shared>> -> memref<1x640x64xf32, #tpu.memory_space<vmem_shared>>
      %dma_start3A_101 = tpu.memref_squeeze %dma_start3A_100 : memref<1x640x64xf32, #tpu.memory_space<vmem_shared>> -> memref<640x64xf32, #tpu.memory_space<vmem_shared>>
      tpu.enqueue_dma source(%dma_start3A_101 : memref<640x64xf32, #tpu.memory_space<vmem_shared>>) target(%dma_start3A_98 : memref<640x64xf32, #tpu.memory_space<hbm>>) target_semaphore(%run_scoped3A_96 : memref<!tpu.dma_semaphore, #tpu.memory_space<semaphore_mem>>)
      %dma_wait3A_102 = arith.constant 0 : i32
      %dma_wait3A_103 = tpu.memref_slice %arg8[%run_scoped3A_25, %run_scoped3A_26, %arg0, %mul3A_2, %dma_wait3A_102] : memref<7x3x2x10240x64xf32, #tpu.memory_space<hbm>> -> memref<1x1x1x640x64xf32, #tpu.memory_space<hbm>>
      %dma_wait3A_104 = tpu.memref_squeeze %dma_wait3A_103 : memref<1x1x1x640x64xf32, #tpu.memory_space<hbm>> -> memref<640x64xf32, #tpu.memory_space<hbm>>
      %dma_wait3A_105 = arith.constant 0 : i32
      %dma_wait3A_106 = tpu.memref_slice %arg10[%run_scoped3A_24, %mul3A_2, %dma_wait3A_105] : memref<2x10240x64xf32, #tpu.memory_space<vmem_shared>> -> memref<1x640x64xf32, #tpu.memory_space<vmem_shared>>
      %dma_wait3A_107 = tpu.memref_squeeze %dma_wait3A_106 : memref<1x640x64xf32, #tpu.memory_space<vmem_shared>> -> memref<640x64xf32, #tpu.memory_space<vmem_shared>>
      tpu.wait_dma2 semaphore(%run_scoped3A_96 : memref<!tpu.dma_semaphore, #tpu.memory_space<semaphore_mem>>) src(%dma_wait3A_107 : memref<640x64xf32, #tpu.memory_space<vmem_shared>>) dst(%dma_wait3A_104 : memref<640x64xf32, #tpu.memory_space<hbm>>)
      tpu.yield
    }) : () -> ()
    %run_scoped3A_27 = arith.constant 0 : i32
    %run_scoped3A_28 = arith.constant 4 : i32
    %run_scoped3A_29 = arith.constant 1 : i32
    "tpu.region"() ({
      %run_scoped3A_96 = tpu.sem_alloc : memref<!tpu.dma_semaphore, #tpu.memory_space<semaphore_mem>>
      %dma_start3A = tpu.memref_slice %arg9[%run_scoped3A_28, %run_scoped3A_29, %arg0, %mul3A_2] : memref<7x3x2x10240xf32, #tpu.memory_space<hbm>> -> memref<1x1x1x640xf32, #tpu.memory_space<hbm>>
      %dma_start3A_97 = tpu.memref_squeeze %dma_start3A : memref<1x1x1x640xf32, #tpu.memory_space<hbm>> -> memref<640xf32, #tpu.memory_space<hbm>>
      %dma_start3A_98 = tpu.memref_slice %arg11[%run_scoped3A_27, %mul3A_2] : memref<2x10240xf32, #tpu.memory_space<vmem_shared>> -> memref<1x640xf32, #tpu.memory_space<vmem_shared>>
      %dma_start3A_99 = tpu.memref_squeeze %dma_start3A_98 : memref<1x640xf32, #tpu.memory_space<vmem_shared>> -> memref<640xf32, #tpu.memory_space<vmem_shared>>
      tpu.enqueue_dma source(%dma_start3A_99 : memref<640xf32, #tpu.memory_space<vmem_shared>>) target(%dma_start3A_97 : memref<640xf32, #tpu.memory_space<hbm>>) target_semaphore(%run_scoped3A_96 : memref<!tpu.dma_semaphore, #tpu.memory_space<semaphore_mem>>)
      %dma_wait3A_100 = tpu.memref_slice %arg9[%run_scoped3A_28, %run_scoped3A_29, %arg0, %mul3A_2] : memref<7x3x2x10240xf32, #tpu.memory_space<hbm>> -> memref<1x1x1x640xf32, #tpu.memory_space<hbm>>
      %dma_wait3A_101 = tpu.memref_squeeze %dma_wait3A_100 : memref<1x1x1x640xf32, #tpu.memory_space<hbm>> -> memref<640xf32, #tpu.memory_space<hbm>>
      %dma_wait3A_102 = tpu.memref_slice %arg11[%run_scoped3A_27, %mul3A_2] : memref<2x10240xf32, #tpu.memory_space<vmem_shared>> -> memref<1x640xf32, #tpu.memory_space<vmem_shared>>
      %dma_wait3A_103 = tpu.memref_squeeze %dma_wait3A_102 : memref<1x640xf32, #tpu.memory_space<vmem_shared>> -> memref<640xf32, #tpu.memory_space<vmem_shared>>
      tpu.wait_dma2 semaphore(%run_scoped3A_96 : memref<!tpu.dma_semaphore, #tpu.memory_space<semaphore_mem>>) src(%dma_wait3A_103 : memref<640xf32, #tpu.memory_space<vmem_shared>>) dst(%dma_wait3A_101 : memref<640xf32, #tpu.memory_space<hbm>>)
      tpu.yield
    }) : () -> ()
    %run_scoped3A_30 = arith.constant 0 : i32
    %run_scoped3A_31 = arith.constant 4 : i32
    %run_scoped3A_32 = arith.constant 2 : i32
    "tpu.region"() ({
      %run_scoped3A_96 = tpu.sem_alloc : memref<!tpu.dma_semaphore, #tpu.memory_space<semaphore_mem>>
      %dma_start3A = arith.constant 0 : i32
      %dma_start3A_97 = tpu.memref_slice %arg8[%run_scoped3A_31, %run_scoped3A_32, %arg0, %mul3A_2, %dma_start3A] : memref<7x3x2x10240x64xf32, #tpu.memory_space<hbm>> -> memref<1x1x1x640x64xf32, #tpu.memory_space<hbm>>
      %dma_start3A_98 = tpu.memref_squeeze %dma_start3A_97 : memref<1x1x1x640x64xf32, #tpu.memory_space<hbm>> -> memref<640x64xf32, #tpu.memory_space<hbm>>
      %dma_start3A_99 = arith.constant 0 : i32
      %dma_start3A_100 = tpu.memref_slice %arg10[%run_scoped3A_30, %mul3A_2, %dma_start3A_99] : memref<2x10240x64xf32, #tpu.memory_space<vmem_shared>> -> memref<1x640x64xf32, #tpu.memory_space<vmem_shared>>
      %dma_start3A_101 = tpu.memref_squeeze %dma_start3A_100 : memref<1x640x64xf32, #tpu.memory_space<vmem_shared>> -> memref<640x64xf32, #tpu.memory_space<vmem_shared>>
      tpu.enqueue_dma source(%dma_start3A_101 : memref<640x64xf32, #tpu.memory_space<vmem_shared>>) target(%dma_start3A_98 : memref<640x64xf32, #tpu.memory_space<hbm>>) target_semaphore(%run_scoped3A_96 : memref<!tpu.dma_semaphore, #tpu.memory_space<semaphore_mem>>)
      %dma_wait3A_102 = arith.constant 0 : i32
      %dma_wait3A_103 = tpu.memref_slice %arg8[%run_scoped3A_31, %run_scoped3A_32, %arg0, %mul3A_2, %dma_wait3A_102] : memref<7x3x2x10240x64xf32, #tpu.memory_space<hbm>> -> memref<1x1x1x640x64xf32, #tpu.memory_space<hbm>>
      %dma_wait3A_104 = tpu.memref_squeeze %dma_wait3A_103 : memref<1x1x1x640x64xf32, #tpu.memory_space<hbm>> -> memref<640x64xf32, #tpu.memory_space<hbm>>
      %dma_wait3A_105 = arith.constant 0 : i32
      %dma_wait3A_106 = tpu.memref_slice %arg10[%run_scoped3A_30, %mul3A_2, %dma_wait3A_105] : memref<2x10240x64xf32, #tpu.memory_space<vmem_shared>> -> memref<1x640x64xf32, #tpu.memory_space<vmem_shared>>
      %dma_wait3A_107 = tpu.memref_squeeze %dma_wait3A_106 : memref<1x640x64xf32, #tpu.memory_space<vmem_shared>> -> memref<640x64xf32, #tpu.memory_space<vmem_shared>>
      tpu.wait_dma2 semaphore(%run_scoped3A_96 : memref<!tpu.dma_semaphore, #tpu.memory_space<semaphore_mem>>) src(%dma_wait3A_107 : memref<640x64xf32, #tpu.memory_space<vmem_shared>>) dst(%dma_wait3A_104 : memref<640x64xf32, #tpu.memory_space<hbm>>)
      tpu.yield
    }) : () -> ()
    %run_scoped3A_33 = arith.constant 0 : i32
    %run_scoped3A_34 = arith.constant 4 : i32
    %run_scoped3A_35 = arith.constant 2 : i32
    "tpu.region"() ({
      %run_scoped3A_96 = tpu.sem_alloc : memref<!tpu.dma_semaphore, #tpu.memory_space<semaphore_mem>>
      %dma_start3A = tpu.memref_slice %arg9[%run_scoped3A_34, %run_scoped3A_35, %arg0, %mul3A_2] : memref<7x3x2x10240xf32, #tpu.memory_space<hbm>> -> memref<1x1x1x640xf32, #tpu.memory_space<hbm>>
      %dma_start3A_97 = tpu.memref_squeeze %dma_start3A : memref<1x1x1x640xf32, #tpu.memory_space<hbm>> -> memref<640xf32, #tpu.memory_space<hbm>>
      %dma_start3A_98 = tpu.memref_slice %arg11[%run_scoped3A_33, %mul3A_2] : memref<2x10240xf32, #tpu.memory_space<vmem_shared>> -> memref<1x640xf32, #tpu.memory_space<vmem_shared>>
      %dma_start3A_99 = tpu.memref_squeeze %dma_start3A_98 : memref<1x640xf32, #tpu.memory_space<vmem_shared>> -> memref<640xf32, #tpu.memory_space<vmem_shared>>
      tpu.enqueue_dma source(%dma_start3A_99 : memref<640xf32, #tpu.memory_space<vmem_shared>>) target(%dma_start3A_97 : memref<640xf32, #tpu.memory_space<hbm>>) target_semaphore(%run_scoped3A_96 : memref<!tpu.dma_semaphore, #tpu.memory_space<semaphore_mem>>)
      %dma_wait3A_100 = tpu.memref_slice %arg9[%run_scoped3A_34, %run_scoped3A_35, %arg0, %mul3A_2] : memref<7x3x2x10240xf32, #tpu.memory_space<hbm>> -> memref<1x1x1x640xf32, #tpu.memory_space<hbm>>
      %dma_wait3A_101 = tpu.memref_squeeze %dma_wait3A_100 : memref<1x1x1x640xf32, #tpu.memory_space<hbm>> -> memref<640xf32, #tpu.memory_space<hbm>>
      %dma_wait3A_102 = tpu.memref_slice %arg11[%run_scoped3A_33, %mul3A_2] : memref<2x10240xf32, #tpu.memory_space<vmem_shared>> -> memref<1x640xf32, #tpu.memory_space<vmem_shared>>
      %dma_wait3A_103 = tpu.memref_squeeze %dma_wait3A_102 : memref<1x640xf32, #tpu.memory_space<vmem_shared>> -> memref<640xf32, #tpu.memory_space<vmem_shared>>
      tpu.wait_dma2 semaphore(%run_scoped3A_96 : memref<!tpu.dma_semaphore, #tpu.memory_space<semaphore_mem>>) src(%dma_wait3A_103 : memref<640xf32, #tpu.memory_space<vmem_shared>>) dst(%dma_wait3A_101 : memref<640xf32, #tpu.memory_space<hbm>>)
      tpu.yield
    }) : () -> ()
    %run_scoped3A_36 = arith.constant 0 : i32
    %run_scoped3A_37 = arith.constant 5 : i32
    %run_scoped3A_38 = arith.constant 1 : i32
    "tpu.region"() ({
      %run_scoped3A_96 = tpu.sem_alloc : memref<!tpu.dma_semaphore, #tpu.memory_space<semaphore_mem>>
      %dma_start3A = arith.constant 0 : i32
      %dma_start3A_97 = tpu.memref_slice %arg8[%run_scoped3A_37, %run_scoped3A_38, %arg0, %mul3A_2, %dma_start3A] : memref<7x3x2x10240x64xf32, #tpu.memory_space<hbm>> -> memref<1x1x1x640x64xf32, #tpu.memory_space<hbm>>
      %dma_start3A_98 = tpu.memref_squeeze %dma_start3A_97 : memref<1x1x1x640x64xf32, #tpu.memory_space<hbm>> -> memref<640x64xf32, #tpu.memory_space<hbm>>
      %dma_start3A_99 = arith.constant 0 : i32
      %dma_start3A_100 = tpu.memref_slice %arg10[%run_scoped3A_36, %mul3A_2, %dma_start3A_99] : memref<2x10240x64xf32, #tpu.memory_space<vmem_shared>> -> memref<1x640x64xf32, #tpu.memory_space<vmem_shared>>
      %dma_start3A_101 = tpu.memref_squeeze %dma_start3A_100 : memref<1x640x64xf32, #tpu.memory_space<vmem_shared>> -> memref<640x64xf32, #tpu.memory_space<vmem_shared>>
      tpu.enqueue_dma source(%dma_start3A_101 : memref<640x64xf32, #tpu.memory_space<vmem_shared>>) target(%dma_start3A_98 : memref<640x64xf32, #tpu.memory_space<hbm>>) target_semaphore(%run_scoped3A_96 : memref<!tpu.dma_semaphore, #tpu.memory_space<semaphore_mem>>)
      %dma_wait3A_102 = arith.constant 0 : i32
      %dma_wait3A_103 = tpu.memref_slice %arg8[%run_scoped3A_37, %run_scoped3A_38, %arg0, %mul3A_2, %dma_wait3A_102] : memref<7x3x2x10240x64xf32, #tpu.memory_space<hbm>> -> memref<1x1x1x640x64xf32, #tpu.memory_space<hbm>>
      %dma_wait3A_104 = tpu.memref_squeeze %dma_wait3A_103 : memref<1x1x1x640x64xf32, #tpu.memory_space<hbm>> -> memref<640x64xf32, #tpu.memory_space<hbm>>
      %dma_wait3A_105 = arith.constant 0 : i32
      %dma_wait3A_106 = tpu.memref_slice %arg10[%run_scoped3A_36, %mul3A_2, %dma_wait3A_105] : memref<2x10240x64xf32, #tpu.memory_space<vmem_shared>> -> memref<1x640x64xf32, #tpu.memory_space<vmem_shared>>
      %dma_wait3A_107 = tpu.memref_squeeze %dma_wait3A_106 : memref<1x640x64xf32, #tpu.memory_space<vmem_shared>> -> memref<640x64xf32, #tpu.memory_space<vmem_shared>>
      tpu.wait_dma2 semaphore(%run_scoped3A_96 : memref<!tpu.dma_semaphore, #tpu.memory_space<semaphore_mem>>) src(%dma_wait3A_107 : memref<640x64xf32, #tpu.memory_space<vmem_shared>>) dst(%dma_wait3A_104 : memref<640x64xf32, #tpu.memory_space<hbm>>)
      tpu.yield
    }) : () -> ()
    %run_scoped3A_39 = arith.constant 0 : i32
    %run_scoped3A_40 = arith.constant 5 : i32
    %run_scoped3A_41 = arith.constant 1 : i32
    "tpu.region"() ({
      %run_scoped3A_96 = tpu.sem_alloc : memref<!tpu.dma_semaphore, #tpu.memory_space<semaphore_mem>>
      %dma_start3A = tpu.memref_slice %arg9[%run_scoped3A_40, %run_scoped3A_41, %arg0, %mul3A_2] : memref<7x3x2x10240xf32, #tpu.memory_space<hbm>> -> memref<1x1x1x640xf32, #tpu.memory_space<hbm>>
      %dma_start3A_97 = tpu.memref_squeeze %dma_start3A : memref<1x1x1x640xf32, #tpu.memory_space<hbm>> -> memref<640xf32, #tpu.memory_space<hbm>>
      %dma_start3A_98 = tpu.memref_slice %arg11[%run_scoped3A_39, %mul3A_2] : memref<2x10240xf32, #tpu.memory_space<vmem_shared>> -> memref<1x640xf32, #tpu.memory_space<vmem_shared>>
      %dma_start3A_99 = tpu.memref_squeeze %dma_start3A_98 : memref<1x640xf32, #tpu.memory_space<vmem_shared>> -> memref<640xf32, #tpu.memory_space<vmem_shared>>
      tpu.enqueue_dma source(%dma_start3A_99 : memref<640xf32, #tpu.memory_space<vmem_shared>>) target(%dma_start3A_97 : memref<640xf32, #tpu.memory_space<hbm>>) target_semaphore(%run_scoped3A_96 : memref<!tpu.dma_semaphore, #tpu.memory_space<semaphore_mem>>)
      %dma_wait3A_100 = tpu.memref_slice %arg9[%run_scoped3A_40, %run_scoped3A_41, %arg0, %mul3A_2] : memref<7x3x2x10240xf32, #tpu.memory_space<hbm>> -> memref<1x1x1x640xf32, #tpu.memory_space<hbm>>
      %dma_wait3A_101 = tpu.memref_squeeze %dma_wait3A_100 : memref<1x1x1x640xf32, #tpu.memory_space<hbm>> -> memref<640xf32, #tpu.memory_space<hbm>>
      %dma_wait3A_102 = tpu.memref_slice %arg11[%run_scoped3A_39, %mul3A_2] : memref<2x10240xf32, #tpu.memory_space<vmem_shared>> -> memref<1x640xf32, #tpu.memory_space<vmem_shared>>
      %dma_wait3A_103 = tpu.memref_squeeze %dma_wait3A_102 : memref<1x640xf32, #tpu.memory_space<vmem_shared>> -> memref<640xf32, #tpu.memory_space<vmem_shared>>
      tpu.wait_dma2 semaphore(%run_scoped3A_96 : memref<!tpu.dma_semaphore, #tpu.memory_space<semaphore_mem>>) src(%dma_wait3A_103 : memref<640xf32, #tpu.memory_space<vmem_shared>>) dst(%dma_wait3A_101 : memref<640xf32, #tpu.memory_space<hbm>>)
      tpu.yield
    }) : () -> ()
    %run_scoped3A_42 = arith.constant 0 : i32
    %run_scoped3A_43 = arith.constant 5 : i32
    %run_scoped3A_44 = arith.constant 2 : i32
    "tpu.region"() ({
      %run_scoped3A_96 = tpu.sem_alloc : memref<!tpu.dma_semaphore, #tpu.memory_space<semaphore_mem>>
      %dma_start3A = arith.constant 0 : i32
      %dma_start3A_97 = tpu.memref_slice %arg8[%run_scoped3A_43, %run_scoped3A_44, %arg0, %mul3A_2, %dma_start3A] : memref<7x3x2x10240x64xf32, #tpu.memory_space<hbm>> -> memref<1x1x1x640x64xf32, #tpu.memory_space<hbm>>
      %dma_start3A_98 = tpu.memref_squeeze %dma_start3A_97 : memref<1x1x1x640x64xf32, #tpu.memory_space<hbm>> -> memref<640x64xf32, #tpu.memory_space<hbm>>
      %dma_start3A_99 = arith.constant 0 : i32
      %dma_start3A_100 = tpu.memref_slice %arg10[%run_scoped3A_42, %mul3A_2, %dma_start3A_99] : memref<2x10240x64xf32, #tpu.memory_space<vmem_shared>> -> memref<1x640x64xf32, #tpu.memory_space<vmem_shared>>
      %dma_start3A_101 = tpu.memref_squeeze %dma_start3A_100 : memref<1x640x64xf32, #tpu.memory_space<vmem_shared>> -> memref<640x64xf32, #tpu.memory_space<vmem_shared>>
      tpu.enqueue_dma source(%dma_start3A_101 : memref<640x64xf32, #tpu.memory_space<vmem_shared>>) target(%dma_start3A_98 : memref<640x64xf32, #tpu.memory_space<hbm>>) target_semaphore(%run_scoped3A_96 : memref<!tpu.dma_semaphore, #tpu.memory_space<semaphore_mem>>)
      %dma_wait3A_102 = arith.constant 0 : i32
      %dma_wait3A_103 = tpu.memref_slice %arg8[%run_scoped3A_43, %run_scoped3A_44, %arg0, %mul3A_2, %dma_wait3A_102] : memref<7x3x2x10240x64xf32, #tpu.memory_space<hbm>> -> memref<1x1x1x640x64xf32, #tpu.memory_space<hbm>>
      %dma_wait3A_104 = tpu.memref_squeeze %dma_wait3A_103 : memref<1x1x1x640x64xf32, #tpu.memory_space<hbm>> -> memref<640x64xf32, #tpu.memory_space<hbm>>
      %dma_wait3A_105 = arith.constant 0 : i32
      %dma_wait3A_106 = tpu.memref_slice %arg10[%run_scoped3A_42, %mul3A_2, %dma_wait3A_105] : memref<2x10240x64xf32, #tpu.memory_space<vmem_shared>> -> memref<1x640x64xf32, #tpu.memory_space<vmem_shared>>
      %dma_wait3A_107 = tpu.memref_squeeze %dma_wait3A_106 : memref<1x640x64xf32, #tpu.memory_space<vmem_shared>> -> memref<640x64xf32, #tpu.memory_space<vmem_shared>>
      tpu.wait_dma2 semaphore(%run_scoped3A_96 : memref<!tpu.dma_semaphore, #tpu.memory_space<semaphore_mem>>) src(%dma_wait3A_107 : memref<640x64xf32, #tpu.memory_space<vmem_shared>>) dst(%dma_wait3A_104 : memref<640x64xf32, #tpu.memory_space<hbm>>)
      tpu.yield
    }) : () -> ()
    %run_scoped3A_45 = arith.constant 0 : i32
    %run_scoped3A_46 = arith.constant 5 : i32
    %run_scoped3A_47 = arith.constant 2 : i32
    "tpu.region"() ({
      %run_scoped3A_96 = tpu.sem_alloc : memref<!tpu.dma_semaphore, #tpu.memory_space<semaphore_mem>>
      %dma_start3A = tpu.memref_slice %arg9[%run_scoped3A_46, %run_scoped3A_47, %arg0, %mul3A_2] : memref<7x3x2x10240xf32, #tpu.memory_space<hbm>> -> memref<1x1x1x640xf32, #tpu.memory_space<hbm>>
      %dma_start3A_97 = tpu.memref_squeeze %dma_start3A : memref<1x1x1x640xf32, #tpu.memory_space<hbm>> -> memref<640xf32, #tpu.memory_space<hbm>>
      %dma_start3A_98 = tpu.memref_slice %arg11[%run_scoped3A_45, %mul3A_2] : memref<2x10240xf32, #tpu.memory_space<vmem_shared>> -> memref<1x640xf32, #tpu.memory_space<vmem_shared>>
      %dma_start3A_99 = tpu.memref_squeeze %dma_start3A_98 : memref<1x640xf32, #tpu.memory_space<vmem_shared>> -> memref<640xf32, #tpu.memory_space<vmem_shared>>
      tpu.enqueue_dma source(%dma_start3A_99 : memref<640xf32, #tpu.memory_space<vmem_shared>>) target(%dma_start3A_97 : memref<640xf32, #tpu.memory_space<hbm>>) target_semaphore(%run_scoped3A_96 : memref<!tpu.dma_semaphore, #tpu.memory_space<semaphore_mem>>)
      %dma_wait3A_100 = tpu.memref_slice %arg9[%run_scoped3A_46, %run_scoped3A_47, %arg0, %mul3A_2] : memref<7x3x2x10240xf32, #tpu.memory_space<hbm>> -> memref<1x1x1x640xf32, #tpu.memory_space<hbm>>
      %dma_wait3A_101 = tpu.memref_squeeze %dma_wait3A_100 : memref<1x1x1x640xf32, #tpu.memory_space<hbm>> -> memref<640xf32, #tpu.memory_space<hbm>>
      %dma_wait3A_102 = tpu.memref_slice %arg11[%run_scoped3A_45, %mul3A_2] : memref<2x10240xf32, #tpu.memory_space<vmem_shared>> -> memref<1x640xf32, #tpu.memory_space<vmem_shared>>
      %dma_wait3A_103 = tpu.memref_squeeze %dma_wait3A_102 : memref<1x640xf32, #tpu.memory_space<vmem_shared>> -> memref<640xf32, #tpu.memory_space<vmem_shared>>
      tpu.wait_dma2 semaphore(%run_scoped3A_96 : memref<!tpu.dma_semaphore, #tpu.memory_space<semaphore_mem>>) src(%dma_wait3A_103 : memref<640xf32, #tpu.memory_space<vmem_shared>>) dst(%dma_wait3A_101 : memref<640xf32, #tpu.memory_space<hbm>>)
      tpu.yield
    }) : () -> ()
    %run_scoped3A_48 = arith.constant 0 : i32
    %run_scoped3A_49 = arith.constant 6 : i32
    %run_scoped3A_50 = arith.constant 1 : i32
    "tpu.region"() ({
      %run_scoped3A_96 = tpu.sem_alloc : memref<!tpu.dma_semaphore, #tpu.memory_space<semaphore_mem>>
      %dma_start3A = arith.constant 0 : i32
      %dma_start3A_97 = tpu.memref_slice %arg8[%run_scoped3A_49, %run_scoped3A_50, %arg0, %mul3A_2, %dma_start3A] : memref<7x3x2x10240x64xf32, #tpu.memory_space<hbm>> -> memref<1x1x1x640x64xf32, #tpu.memory_space<hbm>>
      %dma_start3A_98 = tpu.memref_squeeze %dma_start3A_97 : memref<1x1x1x640x64xf32, #tpu.memory_space<hbm>> -> memref<640x64xf32, #tpu.memory_space<hbm>>
      %dma_start3A_99 = arith.constant 0 : i32
      %dma_start3A_100 = tpu.memref_slice %arg10[%run_scoped3A_48, %mul3A_2, %dma_start3A_99] : memref<2x10240x64xf32, #tpu.memory_space<vmem_shared>> -> memref<1x640x64xf32, #tpu.memory_space<vmem_shared>>
      %dma_start3A_101 = tpu.memref_squeeze %dma_start3A_100 : memref<1x640x64xf32, #tpu.memory_space<vmem_shared>> -> memref<640x64xf32, #tpu.memory_space<vmem_shared>>
      tpu.enqueue_dma source(%dma_start3A_101 : memref<640x64xf32, #tpu.memory_space<vmem_shared>>) target(%dma_start3A_98 : memref<640x64xf32, #tpu.memory_space<hbm>>) target_semaphore(%run_scoped3A_96 : memref<!tpu.dma_semaphore, #tpu.memory_space<semaphore_mem>>)
      %dma_wait3A_102 = arith.constant 0 : i32
      %dma_wait3A_103 = tpu.memref_slice %arg8[%run_scoped3A_49, %run_scoped3A_50, %arg0, %mul3A_2, %dma_wait3A_102] : memref<7x3x2x10240x64xf32, #tpu.memory_space<hbm>> -> memref<1x1x1x640x64xf32, #tpu.memory_space<hbm>>
      %dma_wait3A_104 = tpu.memref_squeeze %dma_wait3A_103 : memref<1x1x1x640x64xf32, #tpu.memory_space<hbm>> -> memref<640x64xf32, #tpu.memory_space<hbm>>
      %dma_wait3A_105 = arith.constant 0 : i32
      %dma_wait3A_106 = tpu.memref_slice %arg10[%run_scoped3A_48, %mul3A_2, %dma_wait3A_105] : memref<2x10240x64xf32, #tpu.memory_space<vmem_shared>> -> memref<1x640x64xf32, #tpu.memory_space<vmem_shared>>
      %dma_wait3A_107 = tpu.memref_squeeze %dma_wait3A_106 : memref<1x640x64xf32, #tpu.memory_space<vmem_shared>> -> memref<640x64xf32, #tpu.memory_space<vmem_shared>>
      tpu.wait_dma2 semaphore(%run_scoped3A_96 : memref<!tpu.dma_semaphore, #tpu.memory_space<semaphore_mem>>) src(%dma_wait3A_107 : memref<640x64xf32, #tpu.memory_space<vmem_shared>>) dst(%dma_wait3A_104 : memref<640x64xf32, #tpu.memory_space<hbm>>)
      tpu.yield
    }) : () -> ()
    %run_scoped3A_51 = arith.constant 0 : i32
    %run_scoped3A_52 = arith.constant 6 : i32
    %run_scoped3A_53 = arith.constant 1 : i32
    "tpu.region"() ({
      %run_scoped3A_96 = tpu.sem_alloc : memref<!tpu.dma_semaphore, #tpu.memory_space<semaphore_mem>>
      %dma_start3A = tpu.memref_slice %arg9[%run_scoped3A_52, %run_scoped3A_53, %arg0, %mul3A_2] : memref<7x3x2x10240xf32, #tpu.memory_space<hbm>> -> memref<1x1x1x640xf32, #tpu.memory_space<hbm>>
      %dma_start3A_97 = tpu.memref_squeeze %dma_start3A : memref<1x1x1x640xf32, #tpu.memory_space<hbm>> -> memref<640xf32, #tpu.memory_space<hbm>>
      %dma_start3A_98 = tpu.memref_slice %arg11[%run_scoped3A_51, %mul3A_2] : memref<2x10240xf32, #tpu.memory_space<vmem_shared>> -> memref<1x640xf32, #tpu.memory_space<vmem_shared>>
      %dma_start3A_99 = tpu.memref_squeeze %dma_start3A_98 : memref<1x640xf32, #tpu.memory_space<vmem_shared>> -> memref<640xf32, #tpu.memory_space<vmem_shared>>
      tpu.enqueue_dma source(%dma_start3A_99 : memref<640xf32, #tpu.memory_space<vmem_shared>>) target(%dma_start3A_97 : memref<640xf32, #tpu.memory_space<hbm>>) target_semaphore(%run_scoped3A_96 : memref<!tpu.dma_semaphore, #tpu.memory_space<semaphore_mem>>)
      %dma_wait3A_100 = tpu.memref_slice %arg9[%run_scoped3A_52, %run_scoped3A_53, %arg0, %mul3A_2] : memref<7x3x2x10240xf32, #tpu.memory_space<hbm>> -> memref<1x1x1x640xf32, #tpu.memory_space<hbm>>
      %dma_wait3A_101 = tpu.memref_squeeze %dma_wait3A_100 : memref<1x1x1x640xf32, #tpu.memory_space<hbm>> -> memref<640xf32, #tpu.memory_space<hbm>>
      %dma_wait3A_102 = tpu.memref_slice %arg11[%run_scoped3A_51, %mul3A_2] : memref<2x10240xf32, #tpu.memory_space<vmem_shared>> -> memref<1x640xf32, #tpu.memory_space<vmem_shared>>
      %dma_wait3A_103 = tpu.memref_squeeze %dma_wait3A_102 : memref<1x640xf32, #tpu.memory_space<vmem_shared>> -> memref<640xf32, #tpu.memory_space<vmem_shared>>
      tpu.wait_dma2 semaphore(%run_scoped3A_96 : memref<!tpu.dma_semaphore, #tpu.memory_space<semaphore_mem>>) src(%dma_wait3A_103 : memref<640xf32, #tpu.memory_space<vmem_shared>>) dst(%dma_wait3A_101 : memref<640xf32, #tpu.memory_space<hbm>>)
      tpu.yield
    }) : () -> ()
    %run_scoped3A_54 = arith.constant 0 : i32
    %run_scoped3A_55 = arith.constant 6 : i32
    %run_scoped3A_56 = arith.constant 2 : i32
    "tpu.region"() ({
      %run_scoped3A_96 = tpu.sem_alloc : memref<!tpu.dma_semaphore, #tpu.memory_space<semaphore_mem>>
      %dma_start3A = arith.constant 0 : i32
      %dma_start3A_97 = tpu.memref_slice %arg8[%run_scoped3A_55, %run_scoped3A_56, %arg0, %mul3A_2, %dma_start3A] : memref<7x3x2x10240x64xf32, #tpu.memory_space<hbm>> -> memref<1x1x1x640x64xf32, #tpu.memory_space<hbm>>
      %dma_start3A_98 = tpu.memref_squeeze %dma_start3A_97 : memref<1x1x1x640x64xf32, #tpu.memory_space<hbm>> -> memref<640x64xf32, #tpu.memory_space<hbm>>
      %dma_start3A_99 = arith.constant 0 : i32
      %dma_start3A_100 = tpu.memref_slice %arg10[%run_scoped3A_54, %mul3A_2, %dma_start3A_99] : memref<2x10240x64xf32, #tpu.memory_space<vmem_shared>> -> memref<1x640x64xf32, #tpu.memory_space<vmem_shared>>
      %dma_start3A_101 = tpu.memref_squeeze %dma_start3A_100 : memref<1x640x64xf32, #tpu.memory_space<vmem_shared>> -> memref<640x64xf32, #tpu.memory_space<vmem_shared>>
      tpu.enqueue_dma source(%dma_start3A_101 : memref<640x64xf32, #tpu.memory_space<vmem_shared>>) target(%dma_start3A_98 : memref<640x64xf32, #tpu.memory_space<hbm>>) target_semaphore(%run_scoped3A_96 : memref<!tpu.dma_semaphore, #tpu.memory_space<semaphore_mem>>)
      %dma_wait3A_102 = arith.constant 0 : i32
      %dma_wait3A_103 = tpu.memref_slice %arg8[%run_scoped3A_55, %run_scoped3A_56, %arg0, %mul3A_2, %dma_wait3A_102] : memref<7x3x2x10240x64xf32, #tpu.memory_space<hbm>> -> memref<1x1x1x640x64xf32, #tpu.memory_space<hbm>>
      %dma_wait3A_104 = tpu.memref_squeeze %dma_wait3A_103 : memref<1x1x1x640x64xf32, #tpu.memory_space<hbm>> -> memref<640x64xf32, #tpu.memory_space<hbm>>
      %dma_wait3A_105 = arith.constant 0 : i32
      %dma_wait3A_106 = tpu.memref_slice %arg10[%run_scoped3A_54, %mul3A_2, %dma_wait3A_105] : memref<2x10240x64xf32, #tpu.memory_space<vmem_shared>> -> memref<1x640x64xf32, #tpu.memory_space<vmem_shared>>
      %dma_wait3A_107 = tpu.memref_squeeze %dma_wait3A_106 : memref<1x640x64xf32, #tpu.memory_space<vmem_shared>> -> memref<640x64xf32, #tpu.memory_space<vmem_shared>>
      tpu.wait_dma2 semaphore(%run_scoped3A_96 : memref<!tpu.dma_semaphore, #tpu.memory_space<semaphore_mem>>) src(%dma_wait3A_107 : memref<640x64xf32, #tpu.memory_space<vmem_shared>>) dst(%dma_wait3A_104 : memref<640x64xf32, #tpu.memory_space<hbm>>)
      tpu.yield
    }) : () -> ()
    %run_scoped3A_57 = arith.constant 0 : i32
    %run_scoped3A_58 = arith.constant 6 : i32
    %run_scoped3A_59 = arith.constant 2 : i32
    "tpu.region"() ({
      %run_scoped3A_96 = tpu.sem_alloc : memref<!tpu.dma_semaphore, #tpu.memory_space<semaphore_mem>>
      %dma_start3A = tpu.memref_slice %arg9[%run_scoped3A_58, %run_scoped3A_59, %arg0, %mul3A_2] : memref<7x3x2x10240xf32, #tpu.memory_space<hbm>> -> memref<1x1x1x640xf32, #tpu.memory_space<hbm>>
      %dma_start3A_97 = tpu.memref_squeeze %dma_start3A : memref<1x1x1x640xf32, #tpu.memory_space<hbm>> -> memref<640xf32, #tpu.memory_space<hbm>>
      %dma_start3A_98 = tpu.memref_slice %arg11[%run_scoped3A_57, %mul3A_2] : memref<2x10240xf32, #tpu.memory_space<vmem_shared>> -> memref<1x640xf32, #tpu.memory_space<vmem_shared>>
      %dma_start3A_99 = tpu.memref_squeeze %dma_start3A_98 : memref<1x640xf32, #tpu.memory_space<vmem_shared>> -> memref<640xf32, #tpu.memory_space<vmem_shared>>
      tpu.enqueue_dma source(%dma_start3A_99 : memref<640xf32, #tpu.memory_space<vmem_shared>>) target(%dma_start3A_97 : memref<640xf32, #tpu.memory_space<hbm>>) target_semaphore(%run_scoped3A_96 : memref<!tpu.dma_semaphore, #tpu.memory_space<semaphore_mem>>)
      %dma_wait3A_100 = tpu.memref_slice %arg9[%run_scoped3A_58, %run_scoped3A_59, %arg0, %mul3A_2] : memref<7x3x2x10240xf32, #tpu.memory_space<hbm>> -> memref<1x1x1x640xf32, #tpu.memory_space<hbm>>
      %dma_wait3A_101 = tpu.memref_squeeze %dma_wait3A_100 : memref<1x1x1x640xf32, #tpu.memory_space<hbm>> -> memref<640xf32, #tpu.memory_space<hbm>>
      %dma_wait3A_102 = tpu.memref_slice %arg11[%run_scoped3A_57, %mul3A_2] : memref<2x10240xf32, #tpu.memory_space<vmem_shared>> -> memref<1x640xf32, #tpu.memory_space<vmem_shared>>
      %dma_wait3A_103 = tpu.memref_squeeze %dma_wait3A_102 : memref<1x640xf32, #tpu.memory_space<vmem_shared>> -> memref<640xf32, #tpu.memory_space<vmem_shared>>
      tpu.wait_dma2 semaphore(%run_scoped3A_96 : memref<!tpu.dma_semaphore, #tpu.memory_space<semaphore_mem>>) src(%dma_wait3A_103 : memref<640xf32, #tpu.memory_space<vmem_shared>>) dst(%dma_wait3A_101 : memref<640xf32, #tpu.memory_space<hbm>>)
      tpu.yield
    }) : () -> ()
    %barrier3A = arith.constant 0 : index
    tpu.barrier barrier_id(%barrier3A)
    %scan3A = arith.constant 0 : i32
    %scan3A_60 = arith.constant 0 : i32
    %scan3A_61 = arith.constant 12 : i32
    %scan3A_62 = arith.addi %scan3A_60, %scan3A_61 : i32
    %scan3A_63 = arith.constant 1 : i32
    scf.for %scan3A_96 = %scan3A_60 to %scan3A_62 step %scan3A_63  : i32 {
      %jit3A = arith.constant 2 : i32
      %eq3A = arith.constant 0 : i32
      %eq3A_97 = arith.cmpi eq, %jit3A, %eq3A : i32
      %jit3A_98 = arith.constant 1 : i32
      %select_n3A = arith.select %eq3A_97, %jit3A_98, %jit3A : i32
      %rem3A = arith.remsi %scan3A_96, %select_n3A : i32
      %ne3A = arith.constant 0 : i32
      %ne3A_99 = arith.cmpi ne, %rem3A, %ne3A : i32
      %lt3A = arith.constant 0 : i32
      %lt3A_100 = arith.cmpi slt, %rem3A, %lt3A : i32
      %lt3A_101 = arith.constant 0 : i32
      %lt3A_102 = arith.cmpi slt, %select_n3A, %lt3A_101 : i32
      %ne3A_103 = arith.xori %lt3A_100, %lt3A_102 : i1
      %and3A = arith.andi %ne3A_103, %ne3A_99 : i1
      %add3A_104 = arith.addi %rem3A, %select_n3A : i32
      %select_n3A_105 = arith.select %and3A, %add3A_104, %rem3A : i32
      %ge3A = arith.constant 2 : i32
      %ge3A_106 = arith.cmpi sge, %scan3A_96, %ge3A : i32
      %convert_element_type3A = arith.extui %ge3A_106 : i1 to i32
      %cond3A = arith.constant 0 : i32
      %cond3A_107 = arith.cmpi ne, %convert_element_type3A, %cond3A : i32
      scf.if %cond3A_107 {
        %sub3A_295 = arith.constant 2 : i32
        %sub3A_296 = arith.subi %scan3A_96, %sub3A_295 : i32
        %lt3A_297 = arith.constant 3 : i32
        %lt3A_298 = arith.cmpi slt, %sub3A_296, %lt3A_297 : i32
        %lt3A_299 = arith.constant 9 : i32
        %lt3A_300 = arith.cmpi slt, %sub3A_296, %lt3A_299 : i32
        %sub3A_301 = arith.constant 3 : i32
        %sub3A_302 = arith.subi %sub3A_296, %sub3A_301 : i32
        %jit3A_303 = arith.constant 2 : i32
        %div3A_304 = arith.divsi %sub3A_302, %jit3A_303 : i32
        %sign3A_305 = arith.constant 0 : i32
        %sign3A_306 = arith.cmpi sgt, %sub3A_302, %sign3A_305 : i32
        %sign3A_307 = arith.extui %sign3A_306 : i1 to i32
        %sign3A_308 = arith.constant 0 : i32
        %sign3A_309 = arith.cmpi slt, %sub3A_302, %sign3A_308 : i32
        %sign3A_310 = arith.extui %sign3A_309 : i1 to i32
        %sign3A_311 = arith.subi %sign3A_307, %sign3A_310 : i32
        %sign3A_312 = arith.constant 0 : i32
        %sign3A_313 = arith.cmpi sgt, %jit3A_303, %sign3A_312 : i32
        %sign3A_314 = arith.extui %sign3A_313 : i1 to i32
        %sign3A_315 = arith.constant 0 : i32
        %sign3A_316 = arith.cmpi slt, %jit3A_303, %sign3A_315 : i32
        %sign3A_317 = arith.extui %sign3A_316 : i1 to i32
        %sign3A_318 = arith.subi %sign3A_314, %sign3A_317 : i32
        %ne3A_319 = arith.cmpi ne, %sign3A_311, %sign3A_318 : i32
        %rem3A_320 = arith.remsi %sub3A_302, %jit3A_303 : i32
        %ne3A_321 = arith.constant 0 : i32
        %ne3A_322 = arith.cmpi ne, %rem3A_320, %ne3A_321 : i32
        %and3A_323 = arith.andi %ne3A_319, %ne3A_322 : i1
        %sub3A_324 = arith.constant 1 : i32
        %sub3A_325 = arith.subi %div3A_304, %sub3A_324 : i32
        %select_n3A_326 = arith.select %and3A_323, %sub3A_325, %div3A_304 : i32
        %add3A_327 = arith.constant 1 : i32
        %add3A_328 = arith.addi %select_n3A_326, %add3A_327 : i32
        %sub3A_329 = arith.constant 5 : i32
        %sub3A_330 = arith.subi %sub3A_296, %sub3A_329 : i32
        %select_n3A_331 = arith.select %lt3A_300, %add3A_328, %sub3A_330 : i32
        %jit3A_332 = arith.constant 0 : i32
        %select_n3A_333 = arith.select %lt3A_298, %jit3A_332, %select_n3A_331 : i32
        %lt3A_334 = arith.constant 3 : i32
        %lt3A_335 = arith.cmpi slt, %sub3A_296, %lt3A_334 : i32
        %lt3A_336 = arith.constant 9 : i32
        %lt3A_337 = arith.cmpi slt, %sub3A_296, %lt3A_336 : i32
        %sub3A_338 = arith.constant 3 : i32
        %sub3A_339 = arith.subi %sub3A_296, %sub3A_338 : i32
        %jit3A_340 = arith.constant 2 : i32
        %eq3A_341 = arith.constant 0 : i32
        %eq3A_342 = arith.cmpi eq, %jit3A_340, %eq3A_341 : i32
        %jit3A_343 = arith.constant 1 : i32
        %select_n3A_344 = arith.select %eq3A_342, %jit3A_343, %jit3A_340 : i32
        %rem3A_345 = arith.remsi %sub3A_339, %select_n3A_344 : i32
        %ne3A_346 = arith.constant 0 : i32
        %ne3A_347 = arith.cmpi ne, %rem3A_345, %ne3A_346 : i32
        %lt3A_348 = arith.constant 0 : i32
        %lt3A_349 = arith.cmpi slt, %rem3A_345, %lt3A_348 : i32
        %lt3A_350 = arith.constant 0 : i32
        %lt3A_351 = arith.cmpi slt, %select_n3A_344, %lt3A_350 : i32
        %ne3A_352 = arith.xori %lt3A_349, %lt3A_351 : i1
        %and3A_353 = arith.andi %ne3A_352, %ne3A_347 : i1
        %add3A_354 = arith.addi %rem3A_345, %select_n3A_344 : i32
        %select_n3A_355 = arith.select %and3A_353, %add3A_354, %rem3A_345 : i32
        %jit3A_356 = arith.constant 0 : i32
        %select_n3A_357 = arith.select %lt3A_337, %select_n3A_355, %jit3A_356 : i32
        %select_n3A_358 = arith.select %lt3A_335, %sub3A_296, %select_n3A_357 : i32
        %dma_wait3A_359 = arith.constant 0 : i32
        %dma_wait3A_360 = tpu.memref_slice %arg8[%select_n3A_333, %select_n3A_358, %arg0, %mul3A_2, %dma_wait3A_359] : memref<7x3x2x10240x64xf32, #tpu.memory_space<hbm>> -> memref<1x1x1x640x64xf32, #tpu.memory_space<hbm>>
        %dma_wait3A_361 = tpu.memref_squeeze %dma_wait3A_360 : memref<1x1x1x640x64xf32, #tpu.memory_space<hbm>> -> memref<640x64xf32, #tpu.memory_space<hbm>>
        %dma_wait3A_362 = arith.constant 0 : i32
        %dma_wait3A_363 = tpu.memref_slice %arg10[%select_n3A_105, %mul3A_2, %dma_wait3A_362] : memref<2x10240x64xf32, #tpu.memory_space<vmem_shared>> -> memref<1x640x64xf32, #tpu.memory_space<vmem_shared>>
        %dma_wait3A_364 = tpu.memref_squeeze %dma_wait3A_363 : memref<1x640x64xf32, #tpu.memory_space<vmem_shared>> -> memref<640x64xf32, #tpu.memory_space<vmem_shared>>
        tpu.wait_dma2 semaphore(%arg18 : memref<!tpu.dma_semaphore, #tpu.memory_space<semaphore_mem>>) src(%dma_wait3A_364 : memref<640x64xf32, #tpu.memory_space<vmem_shared>>) dst(%dma_wait3A_361 : memref<640x64xf32, #tpu.memory_space<hbm>>)
        %dma_wait3A_365 = tpu.memref_slice %arg9[%select_n3A_333, %select_n3A_358, %arg0, %mul3A_2] : memref<7x3x2x10240xf32, #tpu.memory_space<hbm>> -> memref<1x1x1x640xf32, #tpu.memory_space<hbm>>
        %dma_wait3A_366 = tpu.memref_squeeze %dma_wait3A_365 : memref<1x1x1x640xf32, #tpu.memory_space<hbm>> -> memref<640xf32, #tpu.memory_space<hbm>>
        %dma_wait3A_367 = tpu.memref_slice %arg11[%select_n3A_105, %mul3A_2] : memref<2x10240xf32, #tpu.memory_space<vmem_shared>> -> memref<1x640xf32, #tpu.memory_space<vmem_shared>>
        %dma_wait3A_368 = tpu.memref_squeeze %dma_wait3A_367 : memref<1x640xf32, #tpu.memory_space<vmem_shared>> -> memref<640xf32, #tpu.memory_space<vmem_shared>>
        tpu.wait_dma2 semaphore(%arg18 : memref<!tpu.dma_semaphore, #tpu.memory_space<semaphore_mem>>) src(%dma_wait3A_368 : memref<640xf32, #tpu.memory_space<vmem_shared>>) dst(%dma_wait3A_366 : memref<640xf32, #tpu.memory_space<hbm>>)
        "tpu.region"() ({
          %run_scoped3A_369 = tpu.sem_alloc : memref<!tpu.dma_semaphore, #tpu.memory_space<semaphore_mem>>
          %dma_start3A_370 = arith.constant 0 : i32
          %dma_start3A_371 = tpu.memref_slice %arg10[%select_n3A_105, %mul3A_2, %dma_start3A_370] : memref<2x10240x64xf32, #tpu.memory_space<vmem_shared>> -> memref<1x640x64xf32, #tpu.memory_space<vmem_shared>>
          %dma_start3A_372 = tpu.memref_squeeze %dma_start3A_371 : memref<1x640x64xf32, #tpu.memory_space<vmem_shared>> -> memref<640x64xf32, #tpu.memory_space<vmem_shared>>
          tpu.enqueue_dma source(%arg5 : memref<640x64xf32, #tpu.memory_space<hbm>>) target(%dma_start3A_372 : memref<640x64xf32, #tpu.memory_space<vmem_shared>>) target_semaphore(%run_scoped3A_369 : memref<!tpu.dma_semaphore, #tpu.memory_space<semaphore_mem>>)
          %dma_wait3A_373 = arith.constant 0 : i32
          %dma_wait3A_374 = tpu.memref_slice %arg10[%select_n3A_105, %mul3A_2, %dma_wait3A_373] : memref<2x10240x64xf32, #tpu.memory_space<vmem_shared>> -> memref<1x640x64xf32, #tpu.memory_space<vmem_shared>>
          %dma_wait3A_375 = tpu.memref_squeeze %dma_wait3A_374 : memref<1x640x64xf32, #tpu.memory_space<vmem_shared>> -> memref<640x64xf32, #tpu.memory_space<vmem_shared>>
          tpu.wait_dma2 semaphore(%run_scoped3A_369 : memref<!tpu.dma_semaphore, #tpu.memory_space<semaphore_mem>>) src(%arg5 : memref<640x64xf32, #tpu.memory_space<hbm>>) dst(%dma_wait3A_375 : memref<640x64xf32, #tpu.memory_space<vmem_shared>>)
          tpu.yield
        }) : () -> ()
        "tpu.region"() ({
          %run_scoped3A_369 = tpu.sem_alloc : memref<!tpu.dma_semaphore, #tpu.memory_space<semaphore_mem>>
          %dma_start3A_370 = tpu.memref_slice %arg11[%select_n3A_105, %mul3A_2] : memref<2x10240xf32, #tpu.memory_space<vmem_shared>> -> memref<1x640xf32, #tpu.memory_space<vmem_shared>>
          %dma_start3A_371 = tpu.memref_squeeze %dma_start3A_370 : memref<1x640xf32, #tpu.memory_space<vmem_shared>> -> memref<640xf32, #tpu.memory_space<vmem_shared>>
          tpu.enqueue_dma source(%arg6 : memref<640xf32, #tpu.memory_space<hbm>>) target(%dma_start3A_371 : memref<640xf32, #tpu.memory_space<vmem_shared>>) target_semaphore(%run_scoped3A_369 : memref<!tpu.dma_semaphore, #tpu.memory_space<semaphore_mem>>)
          %dma_wait3A_372 = tpu.memref_slice %arg11[%select_n3A_105, %mul3A_2] : memref<2x10240xf32, #tpu.memory_space<vmem_shared>> -> memref<1x640xf32, #tpu.memory_space<vmem_shared>>
          %dma_wait3A_373 = tpu.memref_squeeze %dma_wait3A_372 : memref<1x640xf32, #tpu.memory_space<vmem_shared>> -> memref<640xf32, #tpu.memory_space<vmem_shared>>
          tpu.wait_dma2 semaphore(%run_scoped3A_369 : memref<!tpu.dma_semaphore, #tpu.memory_space<semaphore_mem>>) src(%arg6 : memref<640xf32, #tpu.memory_space<hbm>>) dst(%dma_wait3A_373 : memref<640xf32, #tpu.memory_space<vmem_shared>>)
          tpu.yield
        }) : () -> ()
      } else {
      }
      "tpu.region"() ({
        %run_scoped3A_295 = tpu.sem_alloc : memref<!tpu.dma_semaphore, #tpu.memory_space<semaphore_mem>>
        %dma_start3A_296 = arith.constant 0 : i32
        %dma_start3A_297 = arith.constant 0 : i32
        %dma_start3A_298 = tpu.memref_slice %arg2[%scan3A_96, %add3A, %dma_start3A_296, %dma_start3A_297] : memref<12x32x125x80xi32, #tpu.memory_space<hbm>> -> memref<1x1x125x80xi32, #tpu.memory_space<hbm>>
        %dma_start3A_299 = tpu.memref_squeeze %dma_start3A_298 : memref<1x1x125x80xi32, #tpu.memory_space<hbm>> -> memref<125x80xi32, #tpu.memory_space<hbm>>
        %dma_start3A_300 = arith.constant 0 : i32
        %dma_start3A_301 = arith.constant 0 : i32
        %dma_start3A_302 = tpu.memref_slice %arg2[%scan3A_96, %add3A, %dma_start3A_300, %dma_start3A_301] : memref<12x32x125x80xi32, #tpu.memory_space<hbm>> -> memref<1x1x125x80xi32, #tpu.memory_space<hbm>>
        %dma_start3A_303 = tpu.memref_squeeze %dma_start3A_302 : memref<1x1x125x80xi32, #tpu.memory_space<hbm>> -> memref<125x80xi32, #tpu.memory_space<hbm>>
        tpu.enqueue_dma source(%dma_start3A_303 : memref<125x80xi32, #tpu.memory_space<hbm>>) target(%arg12 : memref<125x80xi32, #tpu.memory_space<vmem>>) target_semaphore(%run_scoped3A_295 : memref<!tpu.dma_semaphore, #tpu.memory_space<semaphore_mem>>)
        %dma_wait3A_304 = arith.constant 0 : i32
        %dma_wait3A_305 = arith.constant 0 : i32
        %dma_wait3A_306 = tpu.memref_slice %arg2[%scan3A_96, %add3A, %dma_wait3A_304, %dma_wait3A_305] : memref<12x32x125x80xi32, #tpu.memory_space<hbm>> -> memref<1x1x125x80xi32, #tpu.memory_space<hbm>>
        %dma_wait3A_307 = tpu.memref_squeeze %dma_wait3A_306 : memref<1x1x125x80xi32, #tpu.memory_space<hbm>> -> memref<125x80xi32, #tpu.memory_space<hbm>>
        %dma_wait3A_308 = arith.constant 0 : i32
        %dma_wait3A_309 = arith.constant 0 : i32
        %dma_wait3A_310 = tpu.memref_slice %arg2[%scan3A_96, %add3A, %dma_wait3A_308, %dma_wait3A_309] : memref<12x32x125x80xi32, #tpu.memory_space<hbm>> -> memref<1x1x125x80xi32, #tpu.memory_space<hbm>>
        %dma_wait3A_311 = tpu.memref_squeeze %dma_wait3A_310 : memref<1x1x125x80xi32, #tpu.memory_space<hbm>> -> memref<125x80xi32, #tpu.memory_space<hbm>>
        tpu.wait_dma2 semaphore(%run_scoped3A_295 : memref<!tpu.dma_semaphore, #tpu.memory_space<semaphore_mem>>) src(%dma_wait3A_311 : memref<125x80xi32, #tpu.memory_space<hbm>>) dst(%arg12 : memref<125x80xi32, #tpu.memory_space<vmem>>)
        tpu.yield
      }) : () -> ()
      "tpu.region"() ({
        %run_scoped3A_295 = tpu.sem_alloc : memref<!tpu.dma_semaphore, #tpu.memory_space<semaphore_mem>>
        %dma_start3A_296 = arith.constant 0 : i32
        %dma_start3A_297 = arith.constant 0 : i32
        %dma_start3A_298 = tpu.memref_slice %arg3[%scan3A_96, %add3A, %dma_start3A_296, %dma_start3A_297] : memref<12x32x125x80xi32, #tpu.memory_space<hbm>> -> memref<1x1x125x80xi32, #tpu.memory_space<hbm>>
        %dma_start3A_299 = tpu.memref_squeeze %dma_start3A_298 : memref<1x1x125x80xi32, #tpu.memory_space<hbm>> -> memref<125x80xi32, #tpu.memory_space<hbm>>
        %dma_start3A_300 = arith.constant 0 : i32
        %dma_start3A_301 = arith.constant 0 : i32
        %dma_start3A_302 = tpu.memref_slice %arg3[%scan3A_96, %add3A, %dma_start3A_300, %dma_start3A_301] : memref<12x32x125x80xi32, #tpu.memory_space<hbm>> -> memref<1x1x125x80xi32, #tpu.memory_space<hbm>>
        %dma_start3A_303 = tpu.memref_squeeze %dma_start3A_302 : memref<1x1x125x80xi32, #tpu.memory_space<hbm>> -> memref<125x80xi32, #tpu.memory_space<hbm>>
        tpu.enqueue_dma source(%dma_start3A_303 : memref<125x80xi32, #tpu.memory_space<hbm>>) target(%arg13 : memref<125x80xi32, #tpu.memory_space<vmem>>) target_semaphore(%run_scoped3A_295 : memref<!tpu.dma_semaphore, #tpu.memory_space<semaphore_mem>>)
        %dma_wait3A_304 = arith.constant 0 : i32
        %dma_wait3A_305 = arith.constant 0 : i32
        %dma_wait3A_306 = tpu.memref_slice %arg3[%scan3A_96, %add3A, %dma_wait3A_304, %dma_wait3A_305] : memref<12x32x125x80xi32, #tpu.memory_space<hbm>> -> memref<1x1x125x80xi32, #tpu.memory_space<hbm>>
        %dma_wait3A_307 = tpu.memref_squeeze %dma_wait3A_306 : memref<1x1x125x80xi32, #tpu.memory_space<hbm>> -> memref<125x80xi32, #tpu.memory_space<hbm>>
        %dma_wait3A_308 = arith.constant 0 : i32
        %dma_wait3A_309 = arith.constant 0 : i32
        %dma_wait3A_310 = tpu.memref_slice %arg3[%scan3A_96, %add3A, %dma_wait3A_308, %dma_wait3A_309] : memref<12x32x125x80xi32, #tpu.memory_space<hbm>> -> memref<1x1x125x80xi32, #tpu.memory_space<hbm>>
        %dma_wait3A_311 = tpu.memref_squeeze %dma_wait3A_310 : memref<1x1x125x80xi32, #tpu.memory_space<hbm>> -> memref<125x80xi32, #tpu.memory_space<hbm>>
        tpu.wait_dma2 semaphore(%run_scoped3A_295 : memref<!tpu.dma_semaphore, #tpu.memory_space<semaphore_mem>>) src(%dma_wait3A_311 : memref<125x80xi32, #tpu.memory_space<hbm>>) dst(%arg13 : memref<125x80xi32, #tpu.memory_space<vmem>>)
        tpu.yield
      }) : () -> ()
      %barrier3A_108 = arith.constant 0 : index
      tpu.barrier barrier_id(%barrier3A_108)
      %dma_start3A = arith.constant 0 : i32
      %dma_start3A_109 = arith.constant 0 : i32
      %dma_start3A_110 = arith.constant 0 : i32
      %dma_start3A_111 = arith.constant 0 : i32
      %dma_start3A_112 = tpu.memref_slice %arg14[%dma_start3A_109, %dma_start3A_110, %dma_start3A_111] : memref<3x80x64xf32, #tpu.memory_space<vmem>> -> memref<1x80x64xf32, #tpu.memory_space<vmem>>
      %dma_start3A_113 = tpu.memref_squeeze %dma_start3A_112 : memref<1x80x64xf32, #tpu.memory_space<vmem>> -> memref<80x64xf32, #tpu.memory_space<vmem>>
      %dma_start3A_114 = arith.constant 0 : i32
      %dma_start3A_115 = tpu.memref_slice %arg12[%dma_start3A, %dma_start3A_114] : memref<125x80xi32, #tpu.memory_space<vmem>> -> memref<1x80xi32, #tpu.memory_space<vmem>>
      %dma_start3A_116 = tpu.memref_squeeze %dma_start3A_115 : memref<1x80xi32, #tpu.memory_space<vmem>> -> memref<80xi32, #tpu.memory_space<vmem>>
      %dma_start3A_117 = arith.constant 0 : i32
      %dma_start3A_118 = arith.constant 0 : i32
      %dma_start3A_119 = tpu.memref_slice %arg4[%dma_start3A_117, %dma_start3A_118] : memref<122880x64xf32, #tpu.memory_space<hbm>> -> memref<122880x64xf32, #tpu.memory_space<hbm>>
      tpu.enqueue_indirect_dma source(%dma_start3A_119 : memref<122880x64xf32, #tpu.memory_space<hbm>>) target(%dma_start3A_113 : memref<80x64xf32, #tpu.memory_space<vmem>>) offsets(%dma_start3A_116 : memref<80xi32, #tpu.memory_space<vmem>>) semaphore(%arg16 : memref<!tpu.dma_semaphore, #tpu.memory_space<semaphore_mem>>)
      %dma_start3A_120 = arith.constant 1 : i32
      %dma_start3A_121 = arith.constant 1 : i32
      %dma_start3A_122 = arith.constant 0 : i32
      %dma_start3A_123 = arith.constant 0 : i32
      %dma_start3A_124 = tpu.memref_slice %arg14[%dma_start3A_121, %dma_start3A_122, %dma_start3A_123] : memref<3x80x64xf32, #tpu.memory_space<vmem>> -> memref<1x80x64xf32, #tpu.memory_space<vmem>>
      %dma_start3A_125 = tpu.memref_squeeze %dma_start3A_124 : memref<1x80x64xf32, #tpu.memory_space<vmem>> -> memref<80x64xf32, #tpu.memory_space<vmem>>
      %dma_start3A_126 = arith.constant 0 : i32
      %dma_start3A_127 = tpu.memref_slice %arg12[%dma_start3A_120, %dma_start3A_126] : memref<125x80xi32, #tpu.memory_space<vmem>> -> memref<1x80xi32, #tpu.memory_space<vmem>>
      %dma_start3A_128 = tpu.memref_squeeze %dma_start3A_127 : memref<1x80xi32, #tpu.memory_space<vmem>> -> memref<80xi32, #tpu.memory_space<vmem>>
      %dma_start3A_129 = arith.constant 0 : i32
      %dma_start3A_130 = arith.constant 0 : i32
      %dma_start3A_131 = tpu.memref_slice %arg4[%dma_start3A_129, %dma_start3A_130] : memref<122880x64xf32, #tpu.memory_space<hbm>> -> memref<122880x64xf32, #tpu.memory_space<hbm>>
      tpu.enqueue_indirect_dma source(%dma_start3A_131 : memref<122880x64xf32, #tpu.memory_space<hbm>>) target(%dma_start3A_125 : memref<80x64xf32, #tpu.memory_space<vmem>>) offsets(%dma_start3A_128 : memref<80xi32, #tpu.memory_space<vmem>>) semaphore(%arg16 : memref<!tpu.dma_semaphore, #tpu.memory_space<semaphore_mem>>)
      %scan3A_132 = arith.constant 0 : i32
      %scan3A_133 = arith.constant 0 : i32
      %scan3A_134 = arith.constant 125 : i32
      %scan3A_135 = arith.addi %scan3A_133, %scan3A_134 : i32
      %scan3A_136 = arith.constant 1 : i32
      scf.for %scan3A_295 = %scan3A_133 to %scan3A_135 step %scan3A_136  : i32 {
        %jit3A_296 = arith.constant 3 : i32
        %eq3A_297 = arith.constant 0 : i32
        %eq3A_298 = arith.cmpi eq, %jit3A_296, %eq3A_297 : i32
        %jit3A_299 = arith.constant 1 : i32
        %select_n3A_300 = arith.select %eq3A_298, %jit3A_299, %jit3A_296 : i32
        %rem3A_301 = arith.remsi %scan3A_295, %select_n3A_300 : i32
        %ne3A_302 = arith.constant 0 : i32
        %ne3A_303 = arith.cmpi ne, %rem3A_301, %ne3A_302 : i32
        %lt3A_304 = arith.constant 0 : i32
        %lt3A_305 = arith.cmpi slt, %rem3A_301, %lt3A_304 : i32
        %lt3A_306 = arith.constant 0 : i32
        %lt3A_307 = arith.cmpi slt, %select_n3A_300, %lt3A_306 : i32
        %ne3A_308 = arith.xori %lt3A_305, %lt3A_307 : i1
        %and3A_309 = arith.andi %ne3A_308, %ne3A_303 : i1
        %add3A_310 = arith.addi %rem3A_301, %select_n3A_300 : i32
        %select_n3A_311 = arith.select %and3A_309, %add3A_310, %rem3A_301 : i32
        %dma_wait3A_312 = arith.constant 0 : i32
        %dma_wait3A_313 = arith.constant 0 : i32
        %dma_wait3A_314 = tpu.memref_slice %arg14[%select_n3A_311, %dma_wait3A_312, %dma_wait3A_313] : memref<3x80x64xf32, #tpu.memory_space<vmem>> -> memref<1x80x64xf32, #tpu.memory_space<vmem>>
        %dma_wait3A_315 = tpu.memref_squeeze %dma_wait3A_314 : memref<1x80x64xf32, #tpu.memory_space<vmem>> -> memref<80x64xf32, #tpu.memory_space<vmem>>
        %dma_wait3A_316 = arith.constant 0 : i32
        %dma_wait3A_317 = tpu.memref_slice %arg12[%scan3A_295, %dma_wait3A_316] : memref<125x80xi32, #tpu.memory_space<vmem>> -> memref<1x80xi32, #tpu.memory_space<vmem>>
        %dma_wait3A_318 = tpu.memref_squeeze %dma_wait3A_317 : memref<1x80xi32, #tpu.memory_space<vmem>> -> memref<80xi32, #tpu.memory_space<vmem>>
        %dma_wait3A_319 = arith.constant 0 : i32
        %dma_wait3A_320 = arith.constant 0 : i32
        %dma_wait3A_321 = tpu.memref_slice %arg4[%dma_wait3A_319, %dma_wait3A_320] : memref<122880x64xf32, #tpu.memory_space<hbm>> -> memref<122880x64xf32, #tpu.memory_space<hbm>>
        tpu.wait_indirect_dma semaphore(%arg16 : memref<!tpu.dma_semaphore, #tpu.memory_space<semaphore_mem>>) src(%dma_wait3A_321 : memref<122880x64xf32, #tpu.memory_space<hbm>>) dst(%dma_wait3A_315 : memref<80x64xf32, #tpu.memory_space<vmem>>)
        %dma_start3A_322 = arith.constant 0 : i32
        %dma_start3A_323 = arith.constant 0 : i32
        %dma_start3A_324 = tpu.memref_slice %arg14[%select_n3A_311, %dma_start3A_322, %dma_start3A_323] : memref<3x80x64xf32, #tpu.memory_space<vmem>> -> memref<1x80x64xf32, #tpu.memory_space<vmem>>
        %dma_start3A_325 = tpu.memref_squeeze %dma_start3A_324 : memref<1x80x64xf32, #tpu.memory_space<vmem>> -> memref<80x64xf32, #tpu.memory_space<vmem>>
        %dma_start3A_326 = arith.constant 0 : i32
        %dma_start3A_327 = tpu.memref_slice %arg13[%scan3A_295, %dma_start3A_326] : memref<125x80xi32, #tpu.memory_space<vmem>> -> memref<1x80xi32, #tpu.memory_space<vmem>>
        %dma_start3A_328 = tpu.memref_squeeze %dma_start3A_327 : memref<1x80xi32, #tpu.memory_space<vmem>> -> memref<80xi32, #tpu.memory_space<vmem>>
        %dma_start3A_329 = arith.constant 0 : i32
        %dma_start3A_330 = arith.constant 0 : i32
        %dma_start3A_331 = tpu.memref_slice %arg10[%select_n3A_105, %dma_start3A_329, %dma_start3A_330] : memref<2x10240x64xf32, #tpu.memory_space<vmem_shared>> -> memref<1x10240x64xf32, #tpu.memory_space<vmem_shared>>
        %dma_start3A_332 = tpu.memref_squeeze %dma_start3A_331 : memref<1x10240x64xf32, #tpu.memory_space<vmem_shared>> -> memref<10240x64xf32, #tpu.memory_space<vmem_shared>>
        %dma_start3A_333 = arith.constant 0 : i32
        %dma_start3A_334 = arith.constant 0 : i32
        %dma_start3A_335 = tpu.memref_slice %dma_start3A_332[%dma_start3A_333, %dma_start3A_334] : memref<10240x64xf32, #tpu.memory_space<vmem_shared>> -> memref<10240x64xf32, #tpu.memory_space<vmem_shared>>
        tpu.enqueue_indirect_dma source(%dma_start3A_325 : memref<80x64xf32, #tpu.memory_space<vmem>>) target(%dma_start3A_335 : memref<10240x64xf32, #tpu.memory_space<vmem_shared>>) offsets(%dma_start3A_328 : memref<80xi32, #tpu.memory_space<vmem>>) semaphore(%arg17 : memref<!tpu.dma_semaphore, #tpu.memory_space<semaphore_mem>>) {add = true}
        %dma_start3A_336 = arith.constant 0 : i32
        %dma_start3A_337 = tpu.memref_slice %arg15[%scan3A_295, %dma_start3A_336] : memref<125x80xf32, #tpu.memory_space<vmem>> -> memref<1x80xf32, #tpu.memory_space<vmem>>
        %dma_start3A_338 = tpu.memref_squeeze %dma_start3A_337 : memref<1x80xf32, #tpu.memory_space<vmem>> -> memref<80xf32, #tpu.memory_space<vmem>>
        %dma_start3A_339 = arith.constant 0 : i32
        %dma_start3A_340 = tpu.memref_slice %arg13[%scan3A_295, %dma_start3A_339] : memref<125x80xi32, #tpu.memory_space<vmem>> -> memref<1x80xi32, #tpu.memory_space<vmem>>
        %dma_start3A_341 = tpu.memref_squeeze %dma_start3A_340 : memref<1x80xi32, #tpu.memory_space<vmem>> -> memref<80xi32, #tpu.memory_space<vmem>>
        %dma_start3A_342 = arith.constant 0 : i32
        %dma_start3A_343 = tpu.memref_slice %arg11[%select_n3A_105, %dma_start3A_342] : memref<2x10240xf32, #tpu.memory_space<vmem_shared>> -> memref<1x10240xf32, #tpu.memory_space<vmem_shared>>
        %dma_start3A_344 = tpu.memref_squeeze %dma_start3A_343 : memref<1x10240xf32, #tpu.memory_space<vmem_shared>> -> memref<10240xf32, #tpu.memory_space<vmem_shared>>
        %dma_start3A_345 = arith.constant 0 : i32
        %dma_start3A_346 = tpu.memref_slice %dma_start3A_344[%dma_start3A_345] : memref<10240xf32, #tpu.memory_space<vmem_shared>> -> memref<10240xf32, #tpu.memory_space<vmem_shared>>
        tpu.enqueue_indirect_dma source(%dma_start3A_338 : memref<80xf32, #tpu.memory_space<vmem>>) target(%dma_start3A_346 : memref<10240xf32, #tpu.memory_space<vmem_shared>>) offsets(%dma_start3A_341 : memref<80xi32, #tpu.memory_space<vmem>>) semaphore(%arg17 : memref<!tpu.dma_semaphore, #tpu.memory_space<semaphore_mem>>) {add = true}
        %add3A_347 = arith.constant 2 : i32
        %add3A_348 = arith.addi %scan3A_295, %add3A_347 : i32
        %lt3A_349 = arith.constant 125 : i32
        %lt3A_350 = arith.cmpi slt, %add3A_348, %lt3A_349 : i32
        %convert_element_type3A_351 = arith.extui %lt3A_350 : i1 to i32
        %cond3A_352 = arith.constant 0 : i32
        %cond3A_353 = arith.cmpi ne, %convert_element_type3A_351, %cond3A_352 : i32
        scf.if %cond3A_353 {
          %ge3A_354 = arith.constant 1 : i32
          %ge3A_355 = arith.cmpi sge, %scan3A_295, %ge3A_354 : i32
          %convert_element_type3A_356 = arith.extui %ge3A_355 : i1 to i32
          %cond3A_357 = arith.constant 0 : i32
          %cond3A_358 = arith.cmpi ne, %convert_element_type3A_356, %cond3A_357 : i32
          scf.if %cond3A_358 {
            %sub3A_389 = arith.constant 1 : i32
            %sub3A_390 = arith.subi %scan3A_295, %sub3A_389 : i32
            %jit3A_391 = arith.constant 3 : i32
            %eq3A_392 = arith.constant 0 : i32
            %eq3A_393 = arith.cmpi eq, %jit3A_391, %eq3A_392 : i32
            %jit3A_394 = arith.constant 1 : i32
            %select_n3A_395 = arith.select %eq3A_393, %jit3A_394, %jit3A_391 : i32
            %rem3A_396 = arith.remsi %sub3A_390, %select_n3A_395 : i32
            %ne3A_397 = arith.constant 0 : i32
            %ne3A_398 = arith.cmpi ne, %rem3A_396, %ne3A_397 : i32
            %lt3A_399 = arith.constant 0 : i32
            %lt3A_400 = arith.cmpi slt, %rem3A_396, %lt3A_399 : i32
            %lt3A_401 = arith.constant 0 : i32
            %lt3A_402 = arith.cmpi slt, %select_n3A_395, %lt3A_401 : i32
            %ne3A_403 = arith.xori %lt3A_400, %lt3A_402 : i1
            %and3A_404 = arith.andi %ne3A_403, %ne3A_398 : i1
            %add3A_405 = arith.addi %rem3A_396, %select_n3A_395 : i32
            %select_n3A_406 = arith.select %and3A_404, %add3A_405, %rem3A_396 : i32
            %sub3A_407 = arith.constant 1 : i32
            %sub3A_408 = arith.subi %scan3A_295, %sub3A_407 : i32
            %dma_wait3A_409 = arith.constant 0 : i32
            %dma_wait3A_410 = arith.constant 0 : i32
            %dma_wait3A_411 = tpu.memref_slice %arg14[%select_n3A_406, %dma_wait3A_409, %dma_wait3A_410] : memref<3x80x64xf32, #tpu.memory_space<vmem>> -> memref<1x80x64xf32, #tpu.memory_space<vmem>>
            %dma_wait3A_412 = tpu.memref_squeeze %dma_wait3A_411 : memref<1x80x64xf32, #tpu.memory_space<vmem>> -> memref<80x64xf32, #tpu.memory_space<vmem>>
            %dma_wait3A_413 = arith.constant 0 : i32
            %dma_wait3A_414 = tpu.memref_slice %arg13[%sub3A_408, %dma_wait3A_413] : memref<125x80xi32, #tpu.memory_space<vmem>> -> memref<1x80xi32, #tpu.memory_space<vmem>>
            %dma_wait3A_415 = tpu.memref_squeeze %dma_wait3A_414 : memref<1x80xi32, #tpu.memory_space<vmem>> -> memref<80xi32, #tpu.memory_space<vmem>>
            %dma_wait3A_416 = arith.constant 0 : i32
            %dma_wait3A_417 = arith.constant 0 : i32
            %dma_wait3A_418 = tpu.memref_slice %arg10[%select_n3A_105, %dma_wait3A_416, %dma_wait3A_417] : memref<2x10240x64xf32, #tpu.memory_space<vmem_shared>> -> memref<1x10240x64xf32, #tpu.memory_space<vmem_shared>>
            %dma_wait3A_419 = tpu.memref_squeeze %dma_wait3A_418 : memref<1x10240x64xf32, #tpu.memory_space<vmem_shared>> -> memref<10240x64xf32, #tpu.memory_space<vmem_shared>>
            %dma_wait3A_420 = arith.constant 0 : i32
            %dma_wait3A_421 = arith.constant 0 : i32
            %dma_wait3A_422 = tpu.memref_slice %dma_wait3A_419[%dma_wait3A_420, %dma_wait3A_421] : memref<10240x64xf32, #tpu.memory_space<vmem_shared>> -> memref<10240x64xf32, #tpu.memory_space<vmem_shared>>
            tpu.wait_indirect_dma semaphore(%arg17 : memref<!tpu.dma_semaphore, #tpu.memory_space<semaphore_mem>>) src(%dma_wait3A_412 : memref<80x64xf32, #tpu.memory_space<vmem>>) dst(%dma_wait3A_422 : memref<10240x64xf32, #tpu.memory_space<vmem_shared>>)
            %sub3A_423 = arith.constant 1 : i32
            %sub3A_424 = arith.subi %scan3A_295, %sub3A_423 : i32
            %sub3A_425 = arith.constant 1 : i32
            %sub3A_426 = arith.subi %scan3A_295, %sub3A_425 : i32
            %dma_wait3A_427 = arith.constant 0 : i32
            %dma_wait3A_428 = tpu.memref_slice %arg15[%sub3A_424, %dma_wait3A_427] : memref<125x80xf32, #tpu.memory_space<vmem>> -> memref<1x80xf32, #tpu.memory_space<vmem>>
            %dma_wait3A_429 = tpu.memref_squeeze %dma_wait3A_428 : memref<1x80xf32, #tpu.memory_space<vmem>> -> memref<80xf32, #tpu.memory_space<vmem>>
            %dma_wait3A_430 = arith.constant 0 : i32
            %dma_wait3A_431 = tpu.memref_slice %arg13[%sub3A_426, %dma_wait3A_430] : memref<125x80xi32, #tpu.memory_space<vmem>> -> memref<1x80xi32, #tpu.memory_space<vmem>>
            %dma_wait3A_432 = tpu.memref_squeeze %dma_wait3A_431 : memref<1x80xi32, #tpu.memory_space<vmem>> -> memref<80xi32, #tpu.memory_space<vmem>>
            %dma_wait3A_433 = arith.constant 0 : i32
            %dma_wait3A_434 = tpu.memref_slice %arg11[%select_n3A_105, %dma_wait3A_433] : memref<2x10240xf32, #tpu.memory_space<vmem_shared>> -> memref<1x10240xf32, #tpu.memory_space<vmem_shared>>
            %dma_wait3A_435 = tpu.memref_squeeze %dma_wait3A_434 : memref<1x10240xf32, #tpu.memory_space<vmem_shared>> -> memref<10240xf32, #tpu.memory_space<vmem_shared>>
            %dma_wait3A_436 = arith.constant 0 : i32
            %dma_wait3A_437 = tpu.memref_slice %dma_wait3A_435[%dma_wait3A_436] : memref<10240xf32, #tpu.memory_space<vmem_shared>> -> memref<10240xf32, #tpu.memory_space<vmem_shared>>
            tpu.wait_indirect_dma semaphore(%arg17 : memref<!tpu.dma_semaphore, #tpu.memory_space<semaphore_mem>>) src(%dma_wait3A_429 : memref<80xf32, #tpu.memory_space<vmem>>) dst(%dma_wait3A_437 : memref<10240xf32, #tpu.memory_space<vmem_shared>>)
          } else {
          }
          %add3A_359 = arith.constant 2 : i32
          %add3A_360 = arith.addi %scan3A_295, %add3A_359 : i32
          %add3A_361 = arith.constant 2 : i32
          %add3A_362 = arith.addi %scan3A_295, %add3A_361 : i32
          %jit3A_363 = arith.constant 3 : i32
          %eq3A_364 = arith.constant 0 : i32
          %eq3A_365 = arith.cmpi eq, %jit3A_363, %eq3A_364 : i32
          %jit3A_366 = arith.constant 1 : i32
          %select_n3A_367 = arith.select %eq3A_365, %jit3A_366, %jit3A_363 : i32
          %rem3A_368 = arith.remsi %add3A_362, %select_n3A_367 : i32
          %ne3A_369 = arith.constant 0 : i32
          %ne3A_370 = arith.cmpi ne, %rem3A_368, %ne3A_369 : i32
          %lt3A_371 = arith.constant 0 : i32
          %lt3A_372 = arith.cmpi slt, %rem3A_368, %lt3A_371 : i32
          %lt3A_373 = arith.constant 0 : i32
          %lt3A_374 = arith.cmpi slt, %select_n3A_367, %lt3A_373 : i32
          %ne3A_375 = arith.xori %lt3A_372, %lt3A_374 : i1
          %and3A_376 = arith.andi %ne3A_375, %ne3A_370 : i1
          %add3A_377 = arith.addi %rem3A_368, %select_n3A_367 : i32
          %select_n3A_378 = arith.select %and3A_376, %add3A_377, %rem3A_368 : i32
          %dma_start3A_379 = arith.constant 0 : i32
          %dma_start3A_380 = arith.constant 0 : i32
          %dma_start3A_381 = tpu.memref_slice %arg14[%select_n3A_378, %dma_start3A_379, %dma_start3A_380] : memref<3x80x64xf32, #tpu.memory_space<vmem>> -> memref<1x80x64xf32, #tpu.memory_space<vmem>>
          %dma_start3A_382 = tpu.memref_squeeze %dma_start3A_381 : memref<1x80x64xf32, #tpu.memory_space<vmem>> -> memref<80x64xf32, #tpu.memory_space<vmem>>
          %dma_start3A_383 = arith.constant 0 : i32
          %dma_start3A_384 = tpu.memref_slice %arg12[%add3A_360, %dma_start3A_383] : memref<125x80xi32, #tpu.memory_space<vmem>> -> memref<1x80xi32, #tpu.memory_space<vmem>>
          %dma_start3A_385 = tpu.memref_squeeze %dma_start3A_384 : memref<1x80xi32, #tpu.memory_space<vmem>> -> memref<80xi32, #tpu.memory_space<vmem>>
          %dma_start3A_386 = arith.constant 0 : i32
          %dma_start3A_387 = arith.constant 0 : i32
          %dma_start3A_388 = tpu.memref_slice %arg4[%dma_start3A_386, %dma_start3A_387] : memref<122880x64xf32, #tpu.memory_space<hbm>> -> memref<122880x64xf32, #tpu.memory_space<hbm>>
          tpu.enqueue_indirect_dma source(%dma_start3A_388 : memref<122880x64xf32, #tpu.memory_space<hbm>>) target(%dma_start3A_382 : memref<80x64xf32, #tpu.memory_space<vmem>>) offsets(%dma_start3A_385 : memref<80xi32, #tpu.memory_space<vmem>>) semaphore(%arg16 : memref<!tpu.dma_semaphore, #tpu.memory_space<semaphore_mem>>)
        } else {
        }
      }
      %scan3A_137 = arith.constant 125 : i32
      %dma_wait3A_138 = arith.constant 2 : i32
      %dma_wait3A_139 = arith.constant 122 : i32
      %dma_wait3A_140 = arith.constant 0 : i32
      %dma_wait3A_141 = arith.constant 0 : i32
      %dma_wait3A_142 = tpu.memref_slice %arg14[%dma_wait3A_138, %dma_wait3A_140, %dma_wait3A_141] : memref<3x80x64xf32, #tpu.memory_space<vmem>> -> memref<1x80x64xf32, #tpu.memory_space<vmem>>
      %dma_wait3A_143 = tpu.memref_squeeze %dma_wait3A_142 : memref<1x80x64xf32, #tpu.memory_space<vmem>> -> memref<80x64xf32, #tpu.memory_space<vmem>>
      %dma_wait3A_144 = arith.constant 0 : i32
      %dma_wait3A_145 = tpu.memref_slice %arg13[%dma_wait3A_139, %dma_wait3A_144] : memref<125x80xi32, #tpu.memory_space<vmem>> -> memref<1x80xi32, #tpu.memory_space<vmem>>
      %dma_wait3A_146 = tpu.memref_squeeze %dma_wait3A_145 : memref<1x80xi32, #tpu.memory_space<vmem>> -> memref<80xi32, #tpu.memory_space<vmem>>
      %dma_wait3A_147 = arith.constant 0 : i32
      %dma_wait3A_148 = arith.constant 0 : i32
      %dma_wait3A_149 = tpu.memref_slice %arg10[%select_n3A_105, %dma_wait3A_147, %dma_wait3A_148] : memref<2x10240x64xf32, #tpu.memory_space<vmem_shared>> -> memref<1x10240x64xf32, #tpu.memory_space<vmem_shared>>
      %dma_wait3A_150 = tpu.memref_squeeze %dma_wait3A_149 : memref<1x10240x64xf32, #tpu.memory_space<vmem_shared>> -> memref<10240x64xf32, #tpu.memory_space<vmem_shared>>
      %dma_wait3A_151 = arith.constant 0 : i32
      %dma_wait3A_152 = arith.constant 0 : i32
      %dma_wait3A_153 = tpu.memref_slice %dma_wait3A_150[%dma_wait3A_151, %dma_wait3A_152] : memref<10240x64xf32, #tpu.memory_space<vmem_shared>> -> memref<10240x64xf32, #tpu.memory_space<vmem_shared>>
      tpu.wait_indirect_dma semaphore(%arg17 : memref<!tpu.dma_semaphore, #tpu.memory_space<semaphore_mem>>) src(%dma_wait3A_143 : memref<80x64xf32, #tpu.memory_space<vmem>>) dst(%dma_wait3A_153 : memref<10240x64xf32, #tpu.memory_space<vmem_shared>>)
      %dma_wait3A_154 = arith.constant 122 : i32
      %dma_wait3A_155 = arith.constant 122 : i32
      %dma_wait3A_156 = arith.constant 0 : i32
      %dma_wait3A_157 = tpu.memref_slice %arg15[%dma_wait3A_154, %dma_wait3A_156] : memref<125x80xf32, #tpu.memory_space<vmem>> -> memref<1x80xf32, #tpu.memory_space<vmem>>
      %dma_wait3A_158 = tpu.memref_squeeze %dma_wait3A_157 : memref<1x80xf32, #tpu.memory_space<vmem>> -> memref<80xf32, #tpu.memory_space<vmem>>
      %dma_wait3A_159 = arith.constant 0 : i32
      %dma_wait3A_160 = tpu.memref_slice %arg13[%dma_wait3A_155, %dma_wait3A_159] : memref<125x80xi32, #tpu.memory_space<vmem>> -> memref<1x80xi32, #tpu.memory_space<vmem>>
      %dma_wait3A_161 = tpu.memref_squeeze %dma_wait3A_160 : memref<1x80xi32, #tpu.memory_space<vmem>> -> memref<80xi32, #tpu.memory_space<vmem>>
      %dma_wait3A_162 = arith.constant 0 : i32
      %dma_wait3A_163 = tpu.memref_slice %arg11[%select_n3A_105, %dma_wait3A_162] : memref<2x10240xf32, #tpu.memory_space<vmem_shared>> -> memref<1x10240xf32, #tpu.memory_space<vmem_shared>>
      %dma_wait3A_164 = tpu.memref_squeeze %dma_wait3A_163 : memref<1x10240xf32, #tpu.memory_space<vmem_shared>> -> memref<10240xf32, #tpu.memory_space<vmem_shared>>
      %dma_wait3A_165 = arith.constant 0 : i32
      %dma_wait3A_166 = tpu.memref_slice %dma_wait3A_164[%dma_wait3A_165] : memref<10240xf32, #tpu.memory_space<vmem_shared>> -> memref<10240xf32, #tpu.memory_space<vmem_shared>>
      tpu.wait_indirect_dma semaphore(%arg17 : memref<!tpu.dma_semaphore, #tpu.memory_space<semaphore_mem>>) src(%dma_wait3A_158 : memref<80xf32, #tpu.memory_space<vmem>>) dst(%dma_wait3A_166 : memref<10240xf32, #tpu.memory_space<vmem_shared>>)
      %dma_wait3A_167 = arith.constant 0 : i32
      %dma_wait3A_168 = arith.constant 123 : i32
      %dma_wait3A_169 = arith.constant 0 : i32
      %dma_wait3A_170 = arith.constant 0 : i32
      %dma_wait3A_171 = tpu.memref_slice %arg14[%dma_wait3A_167, %dma_wait3A_169, %dma_wait3A_170] : memref<3x80x64xf32, #tpu.memory_space<vmem>> -> memref<1x80x64xf32, #tpu.memory_space<vmem>>
      %dma_wait3A_172 = tpu.memref_squeeze %dma_wait3A_171 : memref<1x80x64xf32, #tpu.memory_space<vmem>> -> memref<80x64xf32, #tpu.memory_space<vmem>>
      %dma_wait3A_173 = arith.constant 0 : i32
      %dma_wait3A_174 = tpu.memref_slice %arg13[%dma_wait3A_168, %dma_wait3A_173] : memref<125x80xi32, #tpu.memory_space<vmem>> -> memref<1x80xi32, #tpu.memory_space<vmem>>
      %dma_wait3A_175 = tpu.memref_squeeze %dma_wait3A_174 : memref<1x80xi32, #tpu.memory_space<vmem>> -> memref<80xi32, #tpu.memory_space<vmem>>
      %dma_wait3A_176 = arith.constant 0 : i32
      %dma_wait3A_177 = arith.constant 0 : i32
      %dma_wait3A_178 = tpu.memref_slice %arg10[%select_n3A_105, %dma_wait3A_176, %dma_wait3A_177] : memref<2x10240x64xf32, #tpu.memory_space<vmem_shared>> -> memref<1x10240x64xf32, #tpu.memory_space<vmem_shared>>
      %dma_wait3A_179 = tpu.memref_squeeze %dma_wait3A_178 : memref<1x10240x64xf32, #tpu.memory_space<vmem_shared>> -> memref<10240x64xf32, #tpu.memory_space<vmem_shared>>
      %dma_wait3A_180 = arith.constant 0 : i32
      %dma_wait3A_181 = arith.constant 0 : i32
      %dma_wait3A_182 = tpu.memref_slice %dma_wait3A_179[%dma_wait3A_180, %dma_wait3A_181] : memref<10240x64xf32, #tpu.memory_space<vmem_shared>> -> memref<10240x64xf32, #tpu.memory_space<vmem_shared>>
      tpu.wait_indirect_dma semaphore(%arg17 : memref<!tpu.dma_semaphore, #tpu.memory_space<semaphore_mem>>) src(%dma_wait3A_172 : memref<80x64xf32, #tpu.memory_space<vmem>>) dst(%dma_wait3A_182 : memref<10240x64xf32, #tpu.memory_space<vmem_shared>>)
      %dma_wait3A_183 = arith.constant 123 : i32
      %dma_wait3A_184 = arith.constant 123 : i32
      %dma_wait3A_185 = arith.constant 0 : i32
      %dma_wait3A_186 = tpu.memref_slice %arg15[%dma_wait3A_183, %dma_wait3A_185] : memref<125x80xf32, #tpu.memory_space<vmem>> -> memref<1x80xf32, #tpu.memory_space<vmem>>
      %dma_wait3A_187 = tpu.memref_squeeze %dma_wait3A_186 : memref<1x80xf32, #tpu.memory_space<vmem>> -> memref<80xf32, #tpu.memory_space<vmem>>
      %dma_wait3A_188 = arith.constant 0 : i32
      %dma_wait3A_189 = tpu.memref_slice %arg13[%dma_wait3A_184, %dma_wait3A_188] : memref<125x80xi32, #tpu.memory_space<vmem>> -> memref<1x80xi32, #tpu.memory_space<vmem>>
      %dma_wait3A_190 = tpu.memref_squeeze %dma_wait3A_189 : memref<1x80xi32, #tpu.memory_space<vmem>> -> memref<80xi32, #tpu.memory_space<vmem>>
      %dma_wait3A_191 = arith.constant 0 : i32
      %dma_wait3A_192 = tpu.memref_slice %arg11[%select_n3A_105, %dma_wait3A_191] : memref<2x10240xf32, #tpu.memory_space<vmem_shared>> -> memref<1x10240xf32, #tpu.memory_space<vmem_shared>>
      %dma_wait3A_193 = tpu.memref_squeeze %dma_wait3A_192 : memref<1x10240xf32, #tpu.memory_space<vmem_shared>> -> memref<10240xf32, #tpu.memory_space<vmem_shared>>
      %dma_wait3A_194 = arith.constant 0 : i32
      %dma_wait3A_195 = tpu.memref_slice %dma_wait3A_193[%dma_wait3A_194] : memref<10240xf32, #tpu.memory_space<vmem_shared>> -> memref<10240xf32, #tpu.memory_space<vmem_shared>>
      tpu.wait_indirect_dma semaphore(%arg17 : memref<!tpu.dma_semaphore, #tpu.memory_space<semaphore_mem>>) src(%dma_wait3A_187 : memref<80xf32, #tpu.memory_space<vmem>>) dst(%dma_wait3A_195 : memref<10240xf32, #tpu.memory_space<vmem_shared>>)
      %dma_wait3A_196 = arith.constant 1 : i32
      %dma_wait3A_197 = arith.constant 124 : i32
      %dma_wait3A_198 = arith.constant 0 : i32
      %dma_wait3A_199 = arith.constant 0 : i32
      %dma_wait3A_200 = tpu.memref_slice %arg14[%dma_wait3A_196, %dma_wait3A_198, %dma_wait3A_199] : memref<3x80x64xf32, #tpu.memory_space<vmem>> -> memref<1x80x64xf32, #tpu.memory_space<vmem>>
      %dma_wait3A_201 = tpu.memref_squeeze %dma_wait3A_200 : memref<1x80x64xf32, #tpu.memory_space<vmem>> -> memref<80x64xf32, #tpu.memory_space<vmem>>
      %dma_wait3A_202 = arith.constant 0 : i32
      %dma_wait3A_203 = tpu.memref_slice %arg13[%dma_wait3A_197, %dma_wait3A_202] : memref<125x80xi32, #tpu.memory_space<vmem>> -> memref<1x80xi32, #tpu.memory_space<vmem>>
      %dma_wait3A_204 = tpu.memref_squeeze %dma_wait3A_203 : memref<1x80xi32, #tpu.memory_space<vmem>> -> memref<80xi32, #tpu.memory_space<vmem>>
      %dma_wait3A_205 = arith.constant 0 : i32
      %dma_wait3A_206 = arith.constant 0 : i32
      %dma_wait3A_207 = tpu.memref_slice %arg10[%select_n3A_105, %dma_wait3A_205, %dma_wait3A_206] : memref<2x10240x64xf32, #tpu.memory_space<vmem_shared>> -> memref<1x10240x64xf32, #tpu.memory_space<vmem_shared>>
      %dma_wait3A_208 = tpu.memref_squeeze %dma_wait3A_207 : memref<1x10240x64xf32, #tpu.memory_space<vmem_shared>> -> memref<10240x64xf32, #tpu.memory_space<vmem_shared>>
      %dma_wait3A_209 = arith.constant 0 : i32
      %dma_wait3A_210 = arith.constant 0 : i32
      %dma_wait3A_211 = tpu.memref_slice %dma_wait3A_208[%dma_wait3A_209, %dma_wait3A_210] : memref<10240x64xf32, #tpu.memory_space<vmem_shared>> -> memref<10240x64xf32, #tpu.memory_space<vmem_shared>>
      tpu.wait_indirect_dma semaphore(%arg17 : memref<!tpu.dma_semaphore, #tpu.memory_space<semaphore_mem>>) src(%dma_wait3A_201 : memref<80x64xf32, #tpu.memory_space<vmem>>) dst(%dma_wait3A_211 : memref<10240x64xf32, #tpu.memory_space<vmem_shared>>)
      %dma_wait3A_212 = arith.constant 124 : i32
      %dma_wait3A_213 = arith.constant 124 : i32
      %dma_wait3A_214 = arith.constant 0 : i32
      %dma_wait3A_215 = tpu.memref_slice %arg15[%dma_wait3A_212, %dma_wait3A_214] : memref<125x80xf32, #tpu.memory_space<vmem>> -> memref<1x80xf32, #tpu.memory_space<vmem>>
      %dma_wait3A_216 = tpu.memref_squeeze %dma_wait3A_215 : memref<1x80xf32, #tpu.memory_space<vmem>> -> memref<80xf32, #tpu.memory_space<vmem>>
      %dma_wait3A_217 = arith.constant 0 : i32
      %dma_wait3A_218 = tpu.memref_slice %arg13[%dma_wait3A_213, %dma_wait3A_217] : memref<125x80xi32, #tpu.memory_space<vmem>> -> memref<1x80xi32, #tpu.memory_space<vmem>>
      %dma_wait3A_219 = tpu.memref_squeeze %dma_wait3A_218 : memref<1x80xi32, #tpu.memory_space<vmem>> -> memref<80xi32, #tpu.memory_space<vmem>>
      %dma_wait3A_220 = arith.constant 0 : i32
      %dma_wait3A_221 = tpu.memref_slice %arg11[%select_n3A_105, %dma_wait3A_220] : memref<2x10240xf32, #tpu.memory_space<vmem_shared>> -> memref<1x10240xf32, #tpu.memory_space<vmem_shared>>
      %dma_wait3A_222 = tpu.memref_squeeze %dma_wait3A_221 : memref<1x10240xf32, #tpu.memory_space<vmem_shared>> -> memref<10240xf32, #tpu.memory_space<vmem_shared>>
      %dma_wait3A_223 = arith.constant 0 : i32
      %dma_wait3A_224 = tpu.memref_slice %dma_wait3A_222[%dma_wait3A_223] : memref<10240xf32, #tpu.memory_space<vmem_shared>> -> memref<10240xf32, #tpu.memory_space<vmem_shared>>
      tpu.wait_indirect_dma semaphore(%arg17 : memref<!tpu.dma_semaphore, #tpu.memory_space<semaphore_mem>>) src(%dma_wait3A_216 : memref<80xf32, #tpu.memory_space<vmem>>) dst(%dma_wait3A_224 : memref<10240xf32, #tpu.memory_space<vmem_shared>>)
      %barrier3A_225 = arith.constant 0 : index
      tpu.barrier barrier_id(%barrier3A_225)
      %lt3A_226 = arith.constant 3 : i32
      %lt3A_227 = arith.cmpi slt, %scan3A_96, %lt3A_226 : i32
      %lt3A_228 = arith.constant 9 : i32
      %lt3A_229 = arith.cmpi slt, %scan3A_96, %lt3A_228 : i32
      %sub3A = arith.constant 3 : i32
      %sub3A_230 = arith.subi %scan3A_96, %sub3A : i32
      %jit3A_231 = arith.constant 2 : i32
      %div3A = arith.divsi %sub3A_230, %jit3A_231 : i32
      %sign3A = arith.constant 0 : i32
      %sign3A_232 = arith.cmpi sgt, %sub3A_230, %sign3A : i32
      %sign3A_233 = arith.extui %sign3A_232 : i1 to i32
      %sign3A_234 = arith.constant 0 : i32
      %sign3A_235 = arith.cmpi slt, %sub3A_230, %sign3A_234 : i32
      %sign3A_236 = arith.extui %sign3A_235 : i1 to i32
      %sign3A_237 = arith.subi %sign3A_233, %sign3A_236 : i32
      %sign3A_238 = arith.constant 0 : i32
      %sign3A_239 = arith.cmpi sgt, %jit3A_231, %sign3A_238 : i32
      %sign3A_240 = arith.extui %sign3A_239 : i1 to i32
      %sign3A_241 = arith.constant 0 : i32
      %sign3A_242 = arith.cmpi slt, %jit3A_231, %sign3A_241 : i32
      %sign3A_243 = arith.extui %sign3A_242 : i1 to i32
      %sign3A_244 = arith.subi %sign3A_240, %sign3A_243 : i32
      %ne3A_245 = arith.cmpi ne, %sign3A_237, %sign3A_244 : i32
      %rem3A_246 = arith.remsi %sub3A_230, %jit3A_231 : i32
      %ne3A_247 = arith.constant 0 : i32
      %ne3A_248 = arith.cmpi ne, %rem3A_246, %ne3A_247 : i32
      %and3A_249 = arith.andi %ne3A_245, %ne3A_248 : i1
      %sub3A_250 = arith.constant 1 : i32
      %sub3A_251 = arith.subi %div3A, %sub3A_250 : i32
      %select_n3A_252 = arith.select %and3A_249, %sub3A_251, %div3A : i32
      %add3A_253 = arith.constant 1 : i32
      %add3A_254 = arith.addi %select_n3A_252, %add3A_253 : i32
      %sub3A_255 = arith.constant 5 : i32
      %sub3A_256 = arith.subi %scan3A_96, %sub3A_255 : i32
      %select_n3A_257 = arith.select %lt3A_229, %add3A_254, %sub3A_256 : i32
      %jit3A_258 = arith.constant 0 : i32
      %select_n3A_259 = arith.select %lt3A_227, %jit3A_258, %select_n3A_257 : i32
      %lt3A_260 = arith.constant 3 : i32
      %lt3A_261 = arith.cmpi slt, %scan3A_96, %lt3A_260 : i32
      %lt3A_262 = arith.constant 9 : i32
      %lt3A_263 = arith.cmpi slt, %scan3A_96, %lt3A_262 : i32
      %sub3A_264 = arith.constant 3 : i32
      %sub3A_265 = arith.subi %scan3A_96, %sub3A_264 : i32
      %jit3A_266 = arith.constant 2 : i32
      %eq3A_267 = arith.constant 0 : i32
      %eq3A_268 = arith.cmpi eq, %jit3A_266, %eq3A_267 : i32
      %jit3A_269 = arith.constant 1 : i32
      %select_n3A_270 = arith.select %eq3A_268, %jit3A_269, %jit3A_266 : i32
      %rem3A_271 = arith.remsi %sub3A_265, %select_n3A_270 : i32
      %ne3A_272 = arith.constant 0 : i32
      %ne3A_273 = arith.cmpi ne, %rem3A_271, %ne3A_272 : i32
      %lt3A_274 = arith.constant 0 : i32
      %lt3A_275 = arith.cmpi slt, %rem3A_271, %lt3A_274 : i32
      %lt3A_276 = arith.constant 0 : i32
      %lt3A_277 = arith.cmpi slt, %select_n3A_270, %lt3A_276 : i32
      %ne3A_278 = arith.xori %lt3A_275, %lt3A_277 : i1
      %and3A_279 = arith.andi %ne3A_278, %ne3A_273 : i1
      %add3A_280 = arith.addi %rem3A_271, %select_n3A_270 : i32
      %select_n3A_281 = arith.select %and3A_279, %add3A_280, %rem3A_271 : i32
      %jit3A_282 = arith.constant 0 : i32
      %select_n3A_283 = arith.select %lt3A_263, %select_n3A_281, %jit3A_282 : i32
      %select_n3A_284 = arith.select %lt3A_261, %scan3A_96, %select_n3A_283 : i32
      %dma_start3A_285 = arith.constant 0 : i32
      %dma_start3A_286 = tpu.memref_slice %arg8[%select_n3A_259, %select_n3A_284, %arg0, %mul3A_2, %dma_start3A_285] : memref<7x3x2x10240x64xf32, #tpu.memory_space<hbm>> -> memref<1x1x1x640x64xf32, #tpu.memory_space<hbm>>
      %dma_start3A_287 = tpu.memref_squeeze %dma_start3A_286 : memref<1x1x1x640x64xf32, #tpu.memory_space<hbm>> -> memref<640x64xf32, #tpu.memory_space<hbm>>
      %dma_start3A_288 = arith.constant 0 : i32
      %dma_start3A_289 = tpu.memref_slice %arg10[%select_n3A_105, %mul3A_2, %dma_start3A_288] : memref<2x10240x64xf32, #tpu.memory_space<vmem_shared>> -> memref<1x640x64xf32, #tpu.memory_space<vmem_shared>>
      %dma_start3A_290 = tpu.memref_squeeze %dma_start3A_289 : memref<1x640x64xf32, #tpu.memory_space<vmem_shared>> -> memref<640x64xf32, #tpu.memory_space<vmem_shared>>
      tpu.enqueue_dma source(%dma_start3A_290 : memref<640x64xf32, #tpu.memory_space<vmem_shared>>) target(%dma_start3A_287 : memref<640x64xf32, #tpu.memory_space<hbm>>) target_semaphore(%arg18 : memref<!tpu.dma_semaphore, #tpu.memory_space<semaphore_mem>>)
      %dma_start3A_291 = tpu.memref_slice %arg9[%select_n3A_259, %select_n3A_284, %arg0, %mul3A_2] : memref<7x3x2x10240xf32, #tpu.memory_space<hbm>> -> memref<1x1x1x640xf32, #tpu.memory_space<hbm>>
      %dma_start3A_292 = tpu.memref_squeeze %dma_start3A_291 : memref<1x1x1x640xf32, #tpu.memory_space<hbm>> -> memref<640xf32, #tpu.memory_space<hbm>>
      %dma_start3A_293 = tpu.memref_slice %arg11[%select_n3A_105, %mul3A_2] : memref<2x10240xf32, #tpu.memory_space<vmem_shared>> -> memref<1x640xf32, #tpu.memory_space<vmem_shared>>
      %dma_start3A_294 = tpu.memref_squeeze %dma_start3A_293 : memref<1x640xf32, #tpu.memory_space<vmem_shared>> -> memref<640xf32, #tpu.memory_space<vmem_shared>>
      tpu.enqueue_dma source(%dma_start3A_294 : memref<640xf32, #tpu.memory_space<vmem_shared>>) target(%dma_start3A_292 : memref<640xf32, #tpu.memory_space<hbm>>) target_semaphore(%arg18 : memref<!tpu.dma_semaphore, #tpu.memory_space<semaphore_mem>>)
    }
    %scan3A_64 = arith.constant 12 : i32
    %dma_wait3A = arith.constant 0 : i32
    %dma_wait3A_65 = arith.constant 5 : i32
    %dma_wait3A_66 = arith.constant 0 : i32
    %dma_wait3A_67 = arith.constant 0 : i32
    %dma_wait3A_68 = tpu.memref_slice %arg8[%dma_wait3A_65, %dma_wait3A_66, %arg0, %mul3A_2, %dma_wait3A_67] : memref<7x3x2x10240x64xf32, #tpu.memory_space<hbm>> -> memref<1x1x1x640x64xf32, #tpu.memory_space<hbm>>
    %dma_wait3A_69 = tpu.memref_squeeze %dma_wait3A_68 : memref<1x1x1x640x64xf32, #tpu.memory_space<hbm>> -> memref<640x64xf32, #tpu.memory_space<hbm>>
    %dma_wait3A_70 = arith.constant 0 : i32
    %dma_wait3A_71 = tpu.memref_slice %arg10[%dma_wait3A, %mul3A_2, %dma_wait3A_70] : memref<2x10240x64xf32, #tpu.memory_space<vmem_shared>> -> memref<1x640x64xf32, #tpu.memory_space<vmem_shared>>
    %dma_wait3A_72 = tpu.memref_squeeze %dma_wait3A_71 : memref<1x640x64xf32, #tpu.memory_space<vmem_shared>> -> memref<640x64xf32, #tpu.memory_space<vmem_shared>>
    tpu.wait_dma2 semaphore(%arg18 : memref<!tpu.dma_semaphore, #tpu.memory_space<semaphore_mem>>) src(%dma_wait3A_72 : memref<640x64xf32, #tpu.memory_space<vmem_shared>>) dst(%dma_wait3A_69 : memref<640x64xf32, #tpu.memory_space<hbm>>)
    %dma_wait3A_73 = arith.constant 0 : i32
    %dma_wait3A_74 = arith.constant 5 : i32
    %dma_wait3A_75 = arith.constant 0 : i32
    %dma_wait3A_76 = tpu.memref_slice %arg9[%dma_wait3A_74, %dma_wait3A_75, %arg0, %mul3A_2] : memref<7x3x2x10240xf32, #tpu.memory_space<hbm>> -> memref<1x1x1x640xf32, #tpu.memory_space<hbm>>
    %dma_wait3A_77 = tpu.memref_squeeze %dma_wait3A_76 : memref<1x1x1x640xf32, #tpu.memory_space<hbm>> -> memref<640xf32, #tpu.memory_space<hbm>>
    %dma_wait3A_78 = tpu.memref_slice %arg11[%dma_wait3A_73, %mul3A_2] : memref<2x10240xf32, #tpu.memory_space<vmem_shared>> -> memref<1x640xf32, #tpu.memory_space<vmem_shared>>
    %dma_wait3A_79 = tpu.memref_squeeze %dma_wait3A_78 : memref<1x640xf32, #tpu.memory_space<vmem_shared>> -> memref<640xf32, #tpu.memory_space<vmem_shared>>
    tpu.wait_dma2 semaphore(%arg18 : memref<!tpu.dma_semaphore, #tpu.memory_space<semaphore_mem>>) src(%dma_wait3A_79 : memref<640xf32, #tpu.memory_space<vmem_shared>>) dst(%dma_wait3A_77 : memref<640xf32, #tpu.memory_space<hbm>>)
    %dma_wait3A_80 = arith.constant 1 : i32
    %dma_wait3A_81 = arith.constant 6 : i32
    %dma_wait3A_82 = arith.constant 0 : i32
    %dma_wait3A_83 = arith.constant 0 : i32
    %dma_wait3A_84 = tpu.memref_slice %arg8[%dma_wait3A_81, %dma_wait3A_82, %arg0, %mul3A_2, %dma_wait3A_83] : memref<7x3x2x10240x64xf32, #tpu.memory_space<hbm>> -> memref<1x1x1x640x64xf32, #tpu.memory_space<hbm>>
    %dma_wait3A_85 = tpu.memref_squeeze %dma_wait3A_84 : memref<1x1x1x640x64xf32, #tpu.memory_space<hbm>> -> memref<640x64xf32, #tpu.memory_space<hbm>>
    %dma_wait3A_86 = arith.constant 0 : i32
    %dma_wait3A_87 = tpu.memref_slice %arg10[%dma_wait3A_80, %mul3A_2, %dma_wait3A_86] : memref<2x10240x64xf32, #tpu.memory_space<vmem_shared>> -> memref<1x640x64xf32, #tpu.memory_space<vmem_shared>>
    %dma_wait3A_88 = tpu.memref_squeeze %dma_wait3A_87 : memref<1x640x64xf32, #tpu.memory_space<vmem_shared>> -> memref<640x64xf32, #tpu.memory_space<vmem_shared>>
    tpu.wait_dma2 semaphore(%arg18 : memref<!tpu.dma_semaphore, #tpu.memory_space<semaphore_mem>>) src(%dma_wait3A_88 : memref<640x64xf32, #tpu.memory_space<vmem_shared>>) dst(%dma_wait3A_85 : memref<640x64xf32, #tpu.memory_space<hbm>>)
    %dma_wait3A_89 = arith.constant 1 : i32
    %dma_wait3A_90 = arith.constant 6 : i32
    %dma_wait3A_91 = arith.constant 0 : i32
    %dma_wait3A_92 = tpu.memref_slice %arg9[%dma_wait3A_90, %dma_wait3A_91, %arg0, %mul3A_2] : memref<7x3x2x10240xf32, #tpu.memory_space<hbm>> -> memref<1x1x1x640xf32, #tpu.memory_space<hbm>>
    %dma_wait3A_93 = tpu.memref_squeeze %dma_wait3A_92 : memref<1x1x1x640xf32, #tpu.memory_space<hbm>> -> memref<640xf32, #tpu.memory_space<hbm>>
    %dma_wait3A_94 = tpu.memref_slice %arg11[%dma_wait3A_89, %mul3A_2] : memref<2x10240xf32, #tpu.memory_space<vmem_shared>> -> memref<1x640xf32, #tpu.memory_space<vmem_shared>>
    %dma_wait3A_95 = tpu.memref_squeeze %dma_wait3A_94 : memref<1x640xf32, #tpu.memory_space<vmem_shared>> -> memref<640xf32, #tpu.memory_space<vmem_shared>>
    tpu.wait_dma2 semaphore(%arg18 : memref<!tpu.dma_semaphore, #tpu.memory_space<semaphore_mem>>) src(%dma_wait3A_95 : memref<640xf32, #tpu.memory_space<vmem_shared>>) dst(%dma_wait3A_93 : memref<640xf32, #tpu.memory_space<hbm>>)
    return
  }
}

module attributes {stable_mosaic.version = 14 : i64} {
  func.func @_mm_body(%arg0: i32, %arg1: i32, %arg2: memref<1x1024x128xf32, #tpu.memory_space<vmem>>, %arg3: memref<1x128x64xf32, #tpu.memory_space<vmem>>, %arg4: memref<1x1024x64xf32, #tpu.memory_space<vmem>>) attributes {dimension_semantics = [#tpu.dimension_semantics<arbitrary>, #tpu.dimension_semantics<arbitrary>], iteration_bounds = array<i64: 12, 10>, scalar_prefetch = 0 : i64, scratch_operands = 0 : i64, tpu.core_type = #tpu.core_type<tc>, window_params = [{transform_indices = @transform_0, window_bounds = array<i64: 1, 1024, 128>}, {transform_indices = @transform_1, window_bounds = array<i64: 1, 128, 64>}, {transform_indices = @transform_2, window_bounds = array<i64: 1, 1024, 64>}]} {
    %get3A = arith.constant 0 : index
    %get3A_0 = arith.constant 0 : index
    %get3A_1 = arith.constant 0 : index
    %get3A_2 = vector.load %arg2[%get3A, %get3A_0, %get3A_1] : memref<1x1024x128xf32, #tpu.memory_space<vmem>>, vector<1x1024x128xf32>
    %get3A_3 = vector.shape_cast %get3A_2 : vector<1x1024x128xf32> to vector<1024x128xf32>
    %get3A_4 = arith.constant 0 : index
    %get3A_5 = arith.constant 0 : index
    %get3A_6 = arith.constant 0 : index
    %get3A_7 = vector.load %arg3[%get3A_4, %get3A_5, %get3A_6] : memref<1x128x64xf32, #tpu.memory_space<vmem>>, vector<1x128x64xf32>
    %get3A_8 = vector.shape_cast %get3A_7 : vector<1x128x64xf32> to vector<128x64xf32>
    %dot_general3A = arith.constant dense<0.000000e+00> : vector<1024x64xf32>
    %dot_general3A_9 = tpu.matmul %get3A_3, %get3A_8, %dot_general3A {dimension_numbers = #tpu.dot_dimension_numbers<[1], [0], [0], [1], [0, 0, 1, 1], [], []>, transpose_lhs_hint = false} : vector<1024x128xf32>, vector<128x64xf32>, vector<1024x64xf32> -> vector<1024x64xf32>
    %broadcast_in_dim3A = vector.shape_cast %dot_general3A_9 : vector<1024x64xf32> to vector<1x1024x64xf32>
    %swap3A = arith.constant 0 : index
    %swap3A_10 = arith.constant 0 : index
    %swap3A_11 = arith.constant 0 : index
    %swap3A_12 = vector.load %arg4[%swap3A, %swap3A_10, %swap3A_11] : memref<1x1024x64xf32, #tpu.memory_space<vmem>>, vector<1x1024x64xf32>
    tpu.vector_store %arg4[%swap3A, %swap3A_10, %swap3A_11], %broadcast_in_dim3A {strides = array<i32>} : memref<1x1024x64xf32, #tpu.memory_space<vmem>>, vector<1x1024x64xf32>,
    return
  }
  func.func @transform_0(%arg0: i32, %arg1: i32) -> (i32, i32, i32) {
    %lt3A = arith.constant 3 : i32
    %lt3A_0 = arith.cmpi slt, %arg0, %lt3A : i32
    %lt3A_1 = arith.constant 9 : i32
    %lt3A_2 = arith.cmpi slt, %arg0, %lt3A_1 : i32
    %sub3A = arith.constant 3 : i32
    %sub3A_3 = arith.subi %arg0, %sub3A : i32
    %jit3A = arith.constant 2 : i32
    %div3A = arith.divsi %sub3A_3, %jit3A : i32
    %sign3A = arith.constant 0 : i32
    %sign3A_4 = arith.cmpi sgt, %sub3A_3, %sign3A : i32
    %sign3A_5 = arith.extui %sign3A_4 : i1 to i32
    %sign3A_6 = arith.constant 0 : i32
    %sign3A_7 = arith.cmpi slt, %sub3A_3, %sign3A_6 : i32
    %sign3A_8 = arith.extui %sign3A_7 : i1 to i32
    %sign3A_9 = arith.subi %sign3A_5, %sign3A_8 : i32
    %sign3A_10 = arith.constant 0 : i32
    %sign3A_11 = arith.cmpi sgt, %jit3A, %sign3A_10 : i32
    %sign3A_12 = arith.extui %sign3A_11 : i1 to i32
    %sign3A_13 = arith.constant 0 : i32
    %sign3A_14 = arith.cmpi slt, %jit3A, %sign3A_13 : i32
    %sign3A_15 = arith.extui %sign3A_14 : i1 to i32
    %sign3A_16 = arith.subi %sign3A_12, %sign3A_15 : i32
    %ne3A = arith.cmpi ne, %sign3A_9, %sign3A_16 : i32
    %rem3A = arith.remsi %sub3A_3, %jit3A : i32
    %ne3A_17 = arith.constant 0 : i32
    %ne3A_18 = arith.cmpi ne, %rem3A, %ne3A_17 : i32
    %and3A = arith.andi %ne3A, %ne3A_18 : i1
    %sub3A_19 = arith.constant 1 : i32
    %sub3A_20 = arith.subi %div3A, %sub3A_19 : i32
    %select_n3A = arith.select %and3A, %sub3A_20, %div3A : i32
    %add3A = arith.constant 1 : i32
    %add3A_21 = arith.addi %select_n3A, %add3A : i32
    %sub3A_22 = arith.constant 5 : i32
    %sub3A_23 = arith.subi %arg0, %sub3A_22 : i32
    %select_n3A_24 = arith.select %lt3A_2, %add3A_21, %sub3A_23 : i32
    %jit3A_25 = arith.constant 0 : i32
    %select_n3A_26 = arith.select %lt3A_0, %jit3A_25, %select_n3A_24 : i32
    %c0_i32 = arith.constant 0 : i32
    %c0_i32_27 = arith.constant 0 : i32
    return %select_n3A_26, %arg1, %c0_i32 : i32, i32, i32
  }
  func.func @transform_1(%arg0: i32, %arg1: i32) -> (i32, i32, i32) {
    %c0_i32 = arith.constant 0 : i32
    %c0_i32_0 = arith.constant 0 : i32
    %c0_i32_1 = arith.constant 0 : i32
    return %arg0, %c0_i32, %c0_i32_0 : i32, i32, i32
  }
  func.func @transform_2(%arg0: i32, %arg1: i32) -> (i32, i32, i32) {
    %c0_i32 = arith.constant 0 : i32
    %c0_i32_0 = arith.constant 0 : i32
    return %arg0, %arg1, %c0_i32 : i32, i32, i32
  }
}

module attributes {stable_mosaic.version = 14 : i64} {
  func.func @_fin_body(%arg0: i32, %arg1: i32, %arg2: memref<1x1024x128xf32, #tpu.memory_space<vmem>>, %arg3: memref<1x128x64xf32, #tpu.memory_space<vmem>>, %arg4: memref<1x3x2x1024x64xf32, #tpu.memory_space<vmem>>, %arg5: memref<1x3x2x1024xf32, #tpu.memory_space<vmem>>, %arg6: memref<1x1024x64xf32, #tpu.memory_space<vmem>>) attributes {dimension_semantics = [#tpu.dimension_semantics<arbitrary>, #tpu.dimension_semantics<arbitrary>], iteration_bounds = array<i64: 7, 10>, scalar_prefetch = 0 : i64, scratch_operands = 0 : i64, tpu.core_type = #tpu.core_type<tc>, window_params = [{transform_indices = @transform_0, window_bounds = array<i64: 1, 1024, 128>}, {transform_indices = @transform_1, window_bounds = array<i64: 1, 128, 64>}, {transform_indices = @transform_2, window_bounds = array<i64: 1, 3, 2, 1024, 64>}, {transform_indices = @transform_3, window_bounds = array<i64: 1, 3, 2, 1024>}, {transform_indices = @transform_4, window_bounds = array<i64: 1, 1024, 64>}]} {
    %get3A = arith.constant 0 : index
    %get3A_0 = arith.constant 0 : index
    %get3A_1 = arith.constant 0 : index
    %get3A_2 = vector.load %arg2[%get3A, %get3A_0, %get3A_1] : memref<1x1024x128xf32, #tpu.memory_space<vmem>>, vector<1x1024x128xf32>
    %get3A_3 = vector.shape_cast %get3A_2 : vector<1x1024x128xf32> to vector<1024x128xf32>
    %get3A_4 = arith.constant 0 : index
    %get3A_5 = arith.constant 0 : index
    %get3A_6 = arith.constant 0 : index
    %get3A_7 = vector.load %arg3[%get3A_4, %get3A_5, %get3A_6] : memref<1x128x64xf32, #tpu.memory_space<vmem>>, vector<1x128x64xf32>
    %get3A_8 = vector.shape_cast %get3A_7 : vector<1x128x64xf32> to vector<128x64xf32>
    %dot_general3A = arith.constant dense<0.000000e+00> : vector<1024x64xf32>
    %dot_general3A_9 = tpu.matmul %get3A_3, %get3A_8, %dot_general3A {dimension_numbers = #tpu.dot_dimension_numbers<[1], [0], [0], [1], [0, 0, 1, 1], [], []>, transpose_lhs_hint = false} : vector<1024x128xf32>, vector<128x64xf32>, vector<1024x64xf32> -> vector<1024x64xf32>
    %get3A_10 = arith.constant 0 : index
    %get3A_11 = arith.constant 0 : index
    %get3A_12 = arith.constant 0 : index
    %get3A_13 = arith.constant 0 : index
    %get3A_14 = arith.constant 0 : index
    %get3A_15 = vector.load %arg4[%get3A_10, %get3A_11, %get3A_12, %get3A_13, %get3A_14] : memref<1x3x2x1024x64xf32, #tpu.memory_space<vmem>>, vector<1x1x1x1024x64xf32>
    %get3A_16 = vector.shape_cast %get3A_15 : vector<1x1x1x1024x64xf32> to vector<1024x64xf32>
    %get3A_17 = arith.constant 0 : index
    %get3A_18 = arith.constant 0 : index
    %get3A_19 = arith.constant 1 : index
    %get3A_20 = arith.constant 0 : index
    %get3A_21 = arith.constant 0 : index
    %get3A_22 = vector.load %arg4[%get3A_17, %get3A_18, %get3A_19, %get3A_20, %get3A_21] : memref<1x3x2x1024x64xf32, #tpu.memory_space<vmem>>, vector<1x1x1x1024x64xf32>
    %get3A_23 = vector.shape_cast %get3A_22 : vector<1x1x1x1024x64xf32> to vector<1024x64xf32>
    %add3A = arith.addf %get3A_16, %get3A_23 : vector<1024x64xf32>
    %get3A_24 = arith.constant 0 : index
    %get3A_25 = arith.constant 0 : index
    %get3A_26 = arith.constant 0 : index
    %get3A_27 = arith.constant 0 : index
    %get3A_28 = vector.load %arg5[%get3A_24, %get3A_25, %get3A_26, %get3A_27] : memref<1x3x2x1024xf32, #tpu.memory_space<vmem>>, vector<1x1x1x1024xf32>
    %get3A_29 = vector.shape_cast %get3A_28 : vector<1x1x1x1024xf32> to vector<1024xf32>
    %get3A_30 = arith.constant 0 : index
    %get3A_31 = arith.constant 0 : index
    %get3A_32 = arith.constant 1 : index
    %get3A_33 = arith.constant 0 : index
    %get3A_34 = vector.load %arg5[%get3A_30, %get3A_31, %get3A_32, %get3A_33] : memref<1x3x2x1024xf32, #tpu.memory_space<vmem>>, vector<1x1x1x1024xf32>
    %get3A_35 = vector.shape_cast %get3A_34 : vector<1x1x1x1024xf32> to vector<1024xf32>
    %add3A_36 = arith.addf %get3A_29, %get3A_35 : vector<1024xf32>
    %max3A = arith.constant 1.000000e+00 : f32
    %max3A_37 = vector.broadcast %max3A : f32 to vector<1024xf32>
    %max3A_38 = arith.maximumf %add3A_36, %max3A_37 : vector<1024xf32>
    %broadcast_in_dim3A = vector.shape_cast %max3A_38 : vector<1024xf32> to vector<1024x1xf32>
    %div3A = vector.broadcast %broadcast_in_dim3A : vector<1024x1xf32> to vector<1024x64xf32>
    %div3A_39 = arith.divf %add3A, %div3A : vector<1024x64xf32>
    %add3A_40 = arith.addf %dot_general3A_9, %div3A_39 : vector<1024x64xf32>
    %get3A_41 = arith.constant 0 : index
    %get3A_42 = arith.constant 1 : index
    %get3A_43 = arith.constant 0 : index
    %get3A_44 = arith.constant 0 : index
    %get3A_45 = arith.constant 0 : index
    %get3A_46 = vector.load %arg4[%get3A_41, %get3A_42, %get3A_43, %get3A_44, %get3A_45] : memref<1x3x2x1024x64xf32, #tpu.memory_space<vmem>>, vector<1x1x1x1024x64xf32>
    %get3A_47 = vector.shape_cast %get3A_46 : vector<1x1x1x1024x64xf32> to vector<1024x64xf32>
    %get3A_48 = arith.constant 0 : index
    %get3A_49 = arith.constant 1 : index
    %get3A_50 = arith.constant 1 : index
    %get3A_51 = arith.constant 0 : index
    %get3A_52 = arith.constant 0 : index
    %get3A_53 = vector.load %arg4[%get3A_48, %get3A_49, %get3A_50, %get3A_51, %get3A_52] : memref<1x3x2x1024x64xf32, #tpu.memory_space<vmem>>, vector<1x1x1x1024x64xf32>
    %get3A_54 = vector.shape_cast %get3A_53 : vector<1x1x1x1024x64xf32> to vector<1024x64xf32>
    %add3A_55 = arith.addf %get3A_47, %get3A_54 : vector<1024x64xf32>
    %get3A_56 = arith.constant 0 : index
    %get3A_57 = arith.constant 1 : index
    %get3A_58 = arith.constant 0 : index
    %get3A_59 = arith.constant 0 : index
    %get3A_60 = vector.load %arg5[%get3A_56, %get3A_57, %get3A_58, %get3A_59] : memref<1x3x2x1024xf32, #tpu.memory_space<vmem>>, vector<1x1x1x1024xf32>
    %get3A_61 = vector.shape_cast %get3A_60 : vector<1x1x1x1024xf32> to vector<1024xf32>
    %get3A_62 = arith.constant 0 : index
    %get3A_63 = arith.constant 1 : index
    %get3A_64 = arith.constant 1 : index
    %get3A_65 = arith.constant 0 : index
    %get3A_66 = vector.load %arg5[%get3A_62, %get3A_63, %get3A_64, %get3A_65] : memref<1x3x2x1024xf32, #tpu.memory_space<vmem>>, vector<1x1x1x1024xf32>
    %get3A_67 = vector.shape_cast %get3A_66 : vector<1x1x1x1024xf32> to vector<1024xf32>
    %add3A_68 = arith.addf %get3A_61, %get3A_67 : vector<1024xf32>
    %max3A_69 = arith.constant 1.000000e+00 : f32
    %max3A_70 = vector.broadcast %max3A_69 : f32 to vector<1024xf32>
    %max3A_71 = arith.maximumf %add3A_68, %max3A_70 : vector<1024xf32>
    %broadcast_in_dim3A_72 = vector.shape_cast %max3A_71 : vector<1024xf32> to vector<1024x1xf32>
    %div3A_73 = vector.broadcast %broadcast_in_dim3A_72 : vector<1024x1xf32> to vector<1024x64xf32>
    %div3A_74 = arith.divf %add3A_55, %div3A_73 : vector<1024x64xf32>
    %add3A_75 = arith.addf %add3A_40, %div3A_74 : vector<1024x64xf32>
    %get3A_76 = arith.constant 0 : index
    %get3A_77 = arith.constant 2 : index
    %get3A_78 = arith.constant 0 : index
    %get3A_79 = arith.constant 0 : index
    %get3A_80 = arith.constant 0 : index
    %get3A_81 = vector.load %arg4[%get3A_76, %get3A_77, %get3A_78, %get3A_79, %get3A_80] : memref<1x3x2x1024x64xf32, #tpu.memory_space<vmem>>, vector<1x1x1x1024x64xf32>
    %get3A_82 = vector.shape_cast %get3A_81 : vector<1x1x1x1024x64xf32> to vector<1024x64xf32>
    %get3A_83 = arith.constant 0 : index
    %get3A_84 = arith.constant 2 : index
    %get3A_85 = arith.constant 1 : index
    %get3A_86 = arith.constant 0 : index
    %get3A_87 = arith.constant 0 : index
    %get3A_88 = vector.load %arg4[%get3A_83, %get3A_84, %get3A_85, %get3A_86, %get3A_87] : memref<1x3x2x1024x64xf32, #tpu.memory_space<vmem>>, vector<1x1x1x1024x64xf32>
    %get3A_89 = vector.shape_cast %get3A_88 : vector<1x1x1x1024x64xf32> to vector<1024x64xf32>
    %add3A_90 = arith.addf %get3A_82, %get3A_89 : vector<1024x64xf32>
    %get3A_91 = arith.constant 0 : index
    %get3A_92 = arith.constant 2 : index
    %get3A_93 = arith.constant 0 : index
    %get3A_94 = arith.constant 0 : index
    %get3A_95 = vector.load %arg5[%get3A_91, %get3A_92, %get3A_93, %get3A_94] : memref<1x3x2x1024xf32, #tpu.memory_space<vmem>>, vector<1x1x1x1024xf32>
    %get3A_96 = vector.shape_cast %get3A_95 : vector<1x1x1x1024xf32> to vector<1024xf32>
    %get3A_97 = arith.constant 0 : index
    %get3A_98 = arith.constant 2 : index
    %get3A_99 = arith.constant 1 : index
    %get3A_100 = arith.constant 0 : index
    %get3A_101 = vector.load %arg5[%get3A_97, %get3A_98, %get3A_99, %get3A_100] : memref<1x3x2x1024xf32, #tpu.memory_space<vmem>>, vector<1x1x1x1024xf32>
    %get3A_102 = vector.shape_cast %get3A_101 : vector<1x1x1x1024xf32> to vector<1024xf32>
    %add3A_103 = arith.addf %get3A_96, %get3A_102 : vector<1024xf32>
    %max3A_104 = arith.constant 1.000000e+00 : f32
    %max3A_105 = vector.broadcast %max3A_104 : f32 to vector<1024xf32>
    %max3A_106 = arith.maximumf %add3A_103, %max3A_105 : vector<1024xf32>
    %broadcast_in_dim3A_107 = vector.shape_cast %max3A_106 : vector<1024xf32> to vector<1024x1xf32>
    %div3A_108 = vector.broadcast %broadcast_in_dim3A_107 : vector<1024x1xf32> to vector<1024x64xf32>
    %div3A_109 = arith.divf %add3A_90, %div3A_108 : vector<1024x64xf32>
    %add3A_110 = arith.addf %add3A_75, %div3A_109 : vector<1024x64xf32>
    %neg3A = arith.constant 0.000000e+00 : f32
    %neg3A_111 = vector.broadcast %neg3A : f32 to vector<1024x64xf32>
    %neg3A_112 = arith.subf %neg3A_111, %add3A_110 : vector<1024x64xf32>
    %exp3A = math.exp %neg3A_112 : vector<1024x64xf32>
    %add3A_113 = arith.constant 1.000000e+00 : f32
    %add3A_114 = vector.broadcast %add3A_113 : f32 to vector<1024x64xf32>
    %add3A_115 = arith.addf %add3A_114, %exp3A : vector<1024x64xf32>
    %div3A_116 = arith.constant 1.000000e+00 : f32
    %div3A_117 = vector.broadcast %div3A_116 : f32 to vector<1024x64xf32>
    %div3A_118 = arith.divf %div3A_117, %add3A_115 : vector<1024x64xf32>
    %mul3A = arith.mulf %add3A_110, %div3A_118 : vector<1024x64xf32>
    %swap3A = arith.constant 0 : index
    %swap3A_119 = arith.constant 0 : index
    %swap3A_120 = arith.constant 0 : index
    %swap3A_121 = vector.load %arg6[%swap3A, %swap3A_119, %swap3A_120] : memref<1x1024x64xf32, #tpu.memory_space<vmem>>, vector<1x1024x64xf32>
    %swap3A_122 = vector.shape_cast %swap3A_121 : vector<1x1024x64xf32> to vector<1024x64xf32>
    %swap3A_123 = vector.shape_cast %mul3A : vector<1024x64xf32> to vector<1x1024x64xf32>
    tpu.vector_store %arg6[%swap3A, %swap3A_119, %swap3A_120], %swap3A_123 {strides = array<i32>} : memref<1x1024x64xf32, #tpu.memory_space<vmem>>, vector<1x1024x64xf32>,
    return
  }
  func.func @transform_0(%arg0: i32, %arg1: i32) -> (i32, i32, i32) {
    %c0_i32 = arith.constant 0 : i32
    %c0_i32_0 = arith.constant 0 : i32
    return %arg0, %arg1, %c0_i32 : i32, i32, i32
  }
  func.func @transform_1(%arg0: i32, %arg1: i32) -> (i32, i32, i32) {
    %c0_i32 = arith.constant 0 : i32
    %c0_i32_0 = arith.constant 0 : i32
    %c0_i32_1 = arith.constant 0 : i32
    return %arg0, %c0_i32, %c0_i32_0 : i32, i32, i32
  }
  func.func @transform_2(%arg0: i32, %arg1: i32) -> (i32, i32, i32, i32, i32) {
    %c0_i32 = arith.constant 0 : i32
    %c0_i32_0 = arith.constant 0 : i32
    %c0_i32_1 = arith.constant 0 : i32
    %c0_i32_2 = arith.constant 0 : i32
    return %arg0, %c0_i32, %c0_i32_0, %arg1, %c0_i32_1 : i32, i32, i32, i32, i32
  }
  func.func @transform_3(%arg0: i32, %arg1: i32) -> (i32, i32, i32, i32) {
    %c0_i32 = arith.constant 0 : i32
    %c0_i32_0 = arith.constant 0 : i32
    %c0_i32_1 = arith.constant 0 : i32
    return %arg0, %c0_i32, %c0_i32_0, %arg1 : i32, i32, i32, i32
  }
  func.func @transform_4(%arg0: i32, %arg1: i32) -> (i32, i32, i32) {
    %c0_i32 = arith.constant 0 : i32
    %c0_i32_0 = arith.constant 0 : i32
    return %arg0, %arg1, %c0_i32 : i32, i32, i32
  }
}

</mosaic_0001>

<sc_bundles>
// kernel: kernel.5.cloned.1.call-start
scs
__scs_entry_jumppad:
0x0: {  	(pc) =	sbr.rel $0x88, $3  }
0x1: {  	(tag) =	ssettag $0x0;
	lr =	simm.s32 $0x1  }
0x2: {  	[smem:$0x3F7B] =	sst lr;
	_ =	strace $0xD0000000  }
0x3: {  	_ = 	snop  }
0x4: {  	_ = 	snop  }
0x5: {  	_ = 	snop  }
0x6: {  	_ = 	snop  }
0x7: {  	_ = 	snop  }
__scs_overlays_trampoline_lowered:
0x8: {  	[smem:$0x3F8A] =	sst s0  }
0x9: {  	[smem:$0x3F8B] =	sst s1  }
0xa: {  	[smem:$0x3F8C] =	sst s2  }
0xb: {  	[smem:$0x3F8D] =	sst s3  }
0xc: {  	[smem:$0x3F8E] =	sst s4  }
0xd: {  	[smem:$0x3F8F] =	sst s5  }
0xe: {  	[smem:$0x3F90] =	sst s6  }
0xf: {  	[smem:$0x3F91] =	sst s7  }
0x10: {  	[smem:$0x3F92] =	sst s8  }
0x11: {  	[smem:$0x3F93] =	sst s9;
	s0 =	simm.s32 @!p0 $0x0  }
0x12: {  	s1 =	sld [smem:$0x3F79];
	s0 =	simm.s32 @p0 $0x1  }
0x13: {  	[smem:$0x3F94] =	sst s0;
	s0 =	simm.s32 @!p1 $0x0  }
0x14: {  	s2 =	sld [smem:$0x3F78];
	s0 =	simm.s32 @p1 $0x1  }
0x15: {  	[smem:$0x3F95] =	sst s0;
	s0 =	simm.s32 @!p2 $0x0  }
0x16: {  	s3 =	sld [smem:$0x3FDB];
	s0 =	simm.s32 @p2 $0x1  }
0x17: {  	s4 =	simm.s32 $0x1BF5;
	[smem:$0x3F97] =	sst s0  }
0x18: {  	s0 =	sld [smem:$0x3F7A];
	_ =	swait.ge [sflag:s4], $0x0  }
0x19: {  	s7 =	sld [smem:$0x3F7B]  }
0x1a: {  	s8 =	sadd.s32 $0xFFFFE003, lr  }
0x1b: {  	s9 =	sadd.s32 $0xFFFFFEF7, lr;
	s5 =	simm.s32 $0xFFFFFFFF;
	p2 =	slt.u32 s8, $0xFFFFF086  }
0x1c: {  	p1 =	slt.u32 s9, $0xF7A;
	s5 =	simm.s32 @!p2 $0x0  }
0x1d: {  	s5 =	simm.s32 @p1 $0x1;
	p0 =	seq.s32 s7, s2  }
0x1e: {  	s7 =	smul.u32 @!p0 $0xF7A, s2;
	p2 =	seq.s32 @!p0 s5, $0x0  }
0x1f: {  	s9 =	smul.u32 $0xF7A, s1;
	s8 =	simm.s32 @!p0 $0x1BF5;
	p2 =	por !p2, p0  }
0x20: {  	[sflag:s8] =	ssyncset.s32 @!p0 $0xFFFFF086;
	s6 =	sadd.s32 @!p0 s3, s7;
	s7 =	simm.s32 @!p0 $0x108  }
0x21: {  	s3 =	sadd.s32 s3, s9;
	s6 =	sadd.s32 @!p0 $0x88, s6;
	s7 =	simm.s32 @p2 $0x1082  }
0x22: {  	[simem:s7], [sflag:s8] =	dma.local @!p0 [hbm:s6], $0xF7A  }
0x23: {  	s9 =	sor.u32 $0xD0000000, s2;
	s6 =	simm.s32 $0x108;
	_ =	swait.ge @!p0 [sflag:s8], $0x0  }
0x24: {  	s3 =	sadd.s32 $0x88, s3;
	s6 =	simm.s32 @!p1 $0x1082;
	[sflag:s4] =	ssyncset.s32 $0xFFFFF086  }
0x25: {  	[simem:s6], [sflag:s4] =	dma.local [hbm:s3], $0xF7A  }
0x26: {  	[smem:$0x3F7B] =	sst s1;
	(tag) =	ssettag s2;
	_ =	strace s9  }
0x27: {  	s1 =	sld [smem:$0x3F8B]  }
0x28: {  	s2 =	sld [smem:$0x3F8C]  }
0x29: {  	s4 =	sld [smem:$0x3F8E]  }
0x2a: {  	p0 =	seq.s32 s5, $0x0;
	s5 =	sld [smem:$0x3F8F]  }
0x2b: {  	s6 =	sld [smem:$0x3F90]  }
0x2c: {  	s7 =	sld [smem:$0x3F91]  }
0x2d: {  	s3 =	simm.s32 $0x108;
	s8 =	sld [smem:$0x3F92]  }
0x2e: {  	s3 =	simm.s32 @!p0 $0x1082;
	s9 =	sld [smem:$0x3F93]  }
0x2f: {  	lr =	sadd.s32 s0, s3;
	s0 =	sld [smem:$0x3F8A]  }
0x30: {  	s3 =	sld [smem:$0x3F8D]  }
0x31: {  	[smem:$0x3F96] =	sst s10  }
0x32: {  	s10 =	sld [smem:$0x3F94];
	_ =	sdelay $0x3  }
0x33: {  	p0 =	seq.s32 s10, $0x1;
	s10 =	sld [smem:$0x3F96];
	_ =	sdelay $0x3  }
0x34: {  	[smem:$0x3F96] =	sst s10  }
0x35: {  	s10 =	sld [smem:$0x3F95];
	_ =	sdelay $0x3  }
0x36: {  	p1 =	seq.s32 s10, $0x1;
	s10 =	sld [smem:$0x3F96];
	_ =	sdelay $0x3  }
0x37: {  	[smem:$0x3F96] =	sst s10  }
0x38: {  	s10 =	sld [smem:$0x3F97]  }
0x39: {  	_ = 	snop;
	(pc) =	sbr.ind lr, $3  }
0x3a: {  	_ = 	snop  }
0x3b: {  	_ = 	snop  }
0x3c: {  	p2 =	seq.s32 s10, $0x1;
	s10 =	sld [smem:$0x3F96]  }
0x3d: {  	_ =	shalt  }
0x3e: {  	_ =	shalt  }
0x3f: {  	_ =	shalt  }
0x40: {  	_ =	shalt  }
0x41: {  	_ =	shalt  }
0x42: {  	_ =	shalt  }
0x43: {  	_ =	shalt  }
0x44: {  	_ =	shalt  }
0x45: {  	_ =	shalt  }
0x46: {  	_ =	shalt  }
0x47: {  	_ =	shalt  }
0x48: {  	_ =	shalt  }
0x49: {  	_ =	shalt  }
0x4a: {  	_ =	shalt  }
0x4b: {  	_ =	shalt  }
0x4c: {  	_ =	shalt  }
0x4d: {  	_ =	shalt  }
0x4e: {  	_ =	shalt  }
0x4f: {  	_ =	shalt  }
0x50: {  	_ =	shalt  }
0x51: {  	_ =	shalt  }
0x52: {  	_ =	shalt  }
0x53: {  	_ =	shalt  }
0x54: {  	_ =	shalt  }
0x55: {  	_ =	shalt  }
0x56: {  	_ =	shalt  }
0x57: {  	_ =	shalt  }
0x58: {  	_ =	shalt  }
0x59: {  	_ =	shalt  }
0x5a: {  	_ =	shalt  }
0x5b: {  	_ =	shalt  }
0x5c: {  	_ =	shalt  }
0x5d: {  	_ =	shalt  }
0x5e: {  	_ =	shalt  }
0x5f: {  	_ =	shalt  }
0x60: {  	_ =	shalt  }
0x61: {  	_ =	shalt  }
0x62: {  	_ =	shalt  }
0x63: {  	_ =	shalt  }
0x64: {  	_ =	shalt  }
0x65: {  	_ =	shalt  }
0x66: {  	_ =	shalt  }
0x67: {  	_ =	shalt  }
0x68: {  	_ =	shalt  }
0x69: {  	_ =	shalt  }
0x6a: {  	_ =	shalt  }
0x6b: {  	_ =	shalt  }
0x6c: {  	_ =	shalt  }
0x6d: {  	_ =	shalt  }
0x6e: {  	_ =	shalt  }
0x6f: {  	_ =	shalt  }
0x70: {  	_ =	shalt  }
0x71: {  	_ =	shalt  }
0x72: {  	_ =	shalt  }
0x73: {  	_ =	shalt  }
0x74: {  	_ =	shalt  }
0x75: {  	_ =	shalt  }
0x76: {  	_ =	shalt  }
0x77: {  	_ =	shalt  }
0x78: {  	_ =	shalt  }
0x79: {  	_ =	shalt  }
0x7a: {  	_ =	shalt  }
0x7b: {  	_ =	shalt  }
0x7c: {  	_ =	shalt  }
0x7d: {  	_ =	shalt  }
0x7e: {  	_ =	shalt  }
0x7f: {  	_ =	shalt  }
0x80: {  	_ =	shalt  }
0x81: {  	_ =	shalt  }
0x82: {  	_ =	shalt  }
0x83: {  	_ =	shalt  }
0x84: {  	_ =	shalt  }
0x85: {  	_ =	shalt  }
0x86: {  	_ =	shalt  }
0x87: {  	_ =	shalt  }
.Lfunc_end0:
.L_simem_size_0:
called_computation_lowered:
.L_overlay_start_0:
0x88: {  	s2 =	sld [smem:$0x3FD9]  }
0x89: {  	s3 =	sld [smem:$0x3FFE];
	_ =	sdelay $0x1  }
0x8a: {  	s1 =	srdreg.scid  }
0x8b: {  	s0 =	sand.u32 $0x1, s1  }
0x8c: {  	s17 =	sshll.u32 s0, $0xA;
	s2 =	sadd.s32 s3, s2  }
0x8d: {  	s2 =	sadd.s32 s2, s17  }
0x8e: {  	[smem:$0x3FA2] =	sst s2  }
0x8f: {  	_ = 	snop  }
0x90: {  	s2 =	sld [smem:$0x3FD0];
	(tm) =	ssettm $0x1  }
0x91: {  	s18 =	sld [smem:$0x3FFB];
	_ =	sdelay $0x3  }
0x92: {  	_ =	strace s18  }
0x93: {  	s3 =	sld [smem:$0x3FFC];
	_ =	sdelay $0x3  }
0x94: {  	_ =	strace s3  }
0x95: {  	s3 =	sld [smem:$0x3FFD];
	_ =	sdelay $0x3  }
0x96: {  	_ =	strace s3  }
0x97: {  	_ =	strace $0x8FFFFFFF  }
0x98: {  	s19 =	sld [smem:$0x3FDB];
	_ =	sdelay $0x1  }
0x99: {  	s4 =	simm.s32 $_scs_section_size  }
0x9a: {  	s5 =	simm.s32 $_size__tile_overlayer_lowered;
	s6 =	simm.s32 $_tile_overlayer_lowered  }
0x9b: {  	s22 =	simm.s32 $0x1BFF;
	s21 =	sshll.u32 s6, $0x1;
	s3 =	sadd.s32 s4, s19  }
0x9c: {  	s7 =	simm.s32 $0x0;
	s20 =	sshll.u32 s5, $0x1;
	s5 =	sadd.s32 s21, s3  }
0x9d: {  	[timem:s7], [sflag:s22] =	dma.local [hbm:s5], s20  }
0x9e: {  	_ =	swait.ge [sflag:s22], s20  }
0x9f: {  	s4 =	ssub.s32 $0x0, s20;
	[sflag:s22] =	ssyncset.done $0x0  }
0xa0: {  	[sflag:s22] =	ssyncadd.s32 s4;
	_ =	sdelay $0x1  }
0xa1: {  	s23 =	simm.s32 $0x1B8B  }
0xa2: {  	_ =	swait.ge [sflag:s23], $0x1  }
0xa3: {  	[sflag:s23] =	ssyncset.done $0x0  }
0xa4: {  	s25 =	simm.s32 $0x1B8E;
	s24 =	sld [smem:$0x3FFE];
	[sflag:s23] =	ssyncadd.s32 $0xFFFFFFFF  }
0xa5: {  	s26 =	simm.s32 $execute0_lowered;
	[smem:$0x3FD2] =	sst s25  }
0xa6: {  	s5 =	sshll.u32 s26, $0x1;
	_ =	strace $0x80000046;
	[dreg:$0x1] =	wrdreg $0xFFFFFFFF  }
0xa7: {  	s28 =	simm.s32 $_size_execute0_lowered;
	s3 =	sadd.s32 s3, s5;
	[dreg:$0x0] =	wrdreg $0x0  }
0xa8: {  	s5 =	sshll.u32 s28, $0x1;
	[dreg:$0x2] =	wrdreg s3  }
0xa9: {  	[dreg:$0x3] =	wrdreg s5  }
0xaa: {  	[dreg:$0x4] =	wrdreg $0xC0  }
0xab: {  	_ =	task [dreg:s7], $0x5FFFF  }
0xac: {  	[dreg:$0x1] =	wrdreg $0xFFFFFFFF  }
0xad: {  	[dreg:$0x0] =	wrdreg $0x60  }
0xae: {  	[dreg:$0x2] =	wrdreg s24  }
0xaf: {  	[dreg:$0x3] =	wrdreg s2  }
0xb0: {  	[dreg:$0x4] =	wrdreg $0x0  }
0xb1: {  	[dreg:$0x5] =	wrdreg $0x140000  }
0xb2: {  	[dreg:$0x6] =	wrdreg $0x9  }
0xb3: {  	_ =	task.clear_ibuf [dreg:s7], $0x7FFFF;
	_ =	strace $0x90000046  }
0xb4: {  	s29 =	simm.s32 $0x9;
	_ =	strace $0x80000048  }
0xb5: {  	_ =	swait.ge [sflag:s29], $0x1  }
0xb6: {  	[sflag:s29] =	ssyncadd.s32 $0xFFFFFFFF  }
0xb7: {  	_ =	strace $0x90000048  }
0xb8: {  	_ =	sfence  }
0xb9: {  	s30 =	sld [smem:$0x0];
	_ =	sdelay $0x2  }
0xba: {  	s31 =	sshll.u32 s1, $0xD;
	s1 =	sshrl.u32 s1, $0x2  }
0xbb: {  	s3 =	sand.u32 $0x4000, s31;
	s1 =	sadd.s32 s1, s30  }
0xbc: {  	s0 =	sor.u32 s3, s0;
	s1 =	sshll.u32 s1, $0x11  }
0xbd: {  	s0 =	sor.u32 s1, s0  }
0xbe: {  	s0 =	sadd.s32 $0x8F2B, s0  }
0xbf: {  	[sflag:s0] =	ssyncadd.remote.s32 $0x1  }
0xc0: {  	_ =	sfence.sel $0xFFFF  }
0xc1: {  	[dreg:$0x0] =	wrdreg $0xFFFFFFFF;
	(pc) =	sbr.abs _section_cstart, $3  }
0xc2: {  	[dreg:$0x1] =	wrdreg $0xFFFFFFFF  }
0xc3: {  	_ =	task.clear_ibuf [dreg:s7], $0x2FFFF;
	_ =	strace $0x9FFFFFFF  }
0xc4: {  	(tm) =	ssettm $0x7FFFFFFF  }
0xc5: {  	_ =	shalt  }
tec
execute0_lowered:
.L_overlay_start_1:
0x0: {  	(tag) =	ssettag $0x1  }
0x1: {  	s0 =	rddreg [dreg:$0x0]  }
0x2: {  	s8 =	rddreg [dreg:$0x2]  }
0x3: {  	s9 =	rddreg [dreg:$0x3];
	s1 =	simm.s32 $0x0  }
0x4: {  	s10 =	stileid.u32;
	[smem:$0x7FF] =	sst s1;
	s19 =	sadd.s32 $0xC6200, s0  }
0x5: {  	s23 =	srdreg.scid;
	s7 =	sadd.s32 $0x13B600, s0;
	s20 =	sadd.s32 $0x22B600, s0  }
0x6: {  	s21 =	sadd.s32 $0x22D000, s0;
	_ =	strace $0x80000047;
	[dreg:$0x5] =	wrdreg s19  }
0x7: {  	s22 =	sadd.s32 $0x22CA00, s0;
	s2 =	smul.u32 $0x280, s10;
	[dreg:$0x6] =	wrdreg s20  }
0x8: {  	s11 =	sadd.s32 $0x364E00, s0;
	s1 =	sand.u32 $0x1, s23;
	[dreg:$0x7] =	wrdreg s21  }
0x9: {  	s3 =	smul.u32 $0xA000, s10;
	s12 =	sadd.s32 $0x22D200, s0;
	[dreg:$0x8] =	wrdreg s22  }
0xa: {  	s24 =	ssub.s32 $0x2, s1;
	s4 =	smul.u32 $0xA0000, s1;
	[dreg:$0x9] =	wrdreg s11  }
0xb: {  	s6 =	sshll.u32 s1, $0x4;
	s1 =	smul.u32 $0x2800, s1;
	[dreg:$0xa] =	wrdreg s12  }
0xc: {  	s5 =	sshrl.u32 s24, $0x1;
	s25 =	sor.u32 s10, s6;
	s4 =	sadd.s32 s3, s4  }
0xd: {  	s30 =	sadd.s32 s2, s1;
	s25 =	smul.u32 $0x2710, s25;
	[dreg:$0xb] =	wrdreg s4  }
0xe: {  	s0 =	ssub.s32 s24, s5;
	s26 =	sshrl.u32 s4, $0x3;
	[dreg:$0xc] =	wrdreg s30  }
0xf: {  	s0 =	smax.u32 s0, $0x1;
	s31 =	sadd.s32 s11, s26;
	[dreg:$0x1f] =	wrdreg s25  }
0x10: {  	s14 =	sadd.s32 s3, s8;
	[smem:$0x7FB] =	sst s0;
	s3 =	sadd.s32 $0xC8000, s31  }
0x11: {  	s6 =	sadd.s32 $0x140000, s31;
	[dreg:$0xd] =	wrdreg s3  }
0x12: {  	s8 =	sadd.s32 $0x1B8000, s31;
	[dreg:$0xe] =	wrdreg s6  }
0x13: {  	s16 =	sadd.s32 s2, s9;
	s9 =	sadd.s32 $0x208000, s31;
	[dreg:$0xf] =	wrdreg s8  }
0x14: {  	s10 =	sadd.s32 $0x230000, s31;
	[dreg:$0x10] =	wrdreg s9  }
0x15: {  	s4 =	sshrl.u32 s30, $0x3;
	s11 =	sadd.s32 $0x280000, s31;
	[dreg:$0x11] =	wrdreg s10  }
0x16: {  	s2 =	sadd.s32 s12, s4;
	s12 =	sadd.s32 $0x2A8000, s31;
	[dreg:$0x12] =	wrdreg s11  }
0x17: {  	s13 =	sadd.s32 $0x2F8000, s31;
	[dreg:$0x13] =	wrdreg s12  }
0x18: {  	s1 =	sadd.s32 $0x320000, s31;
	[dreg:$0x14] =	wrdreg s13  }
0x19: {  	s15 =	sadd.s32 $0x3200, s2;
	[dreg:$0x15] =	wrdreg s1  }
0x1a: {  	s17 =	sadd.s32 $0x5000, s2;
	[dreg:$0x16] =	wrdreg s15  }
0x1b: {  	s18 =	sadd.s32 $0x6E00, s2;
	[dreg:$0x17] =	wrdreg s17  }
0x1c: {  	s19 =	sadd.s32 $0x8200, s2;
	[dreg:$0x18] =	wrdreg s18  }
0x1d: {  	s20 =	sadd.s32 $0x8C00, s2;
	[dreg:$0x19] =	wrdreg s19  }
0x1e: {  	s28 =	simm.s32 $0x1;
	s21 =	sadd.s32 $0xA000, s2;
	[dreg:$0x1a] =	wrdreg s20  }
0x1f: {  	s29 =	simm.s32 $0x2;
	s22 =	sadd.s32 $0xAA00, s2;
	[dreg:$0x1b] =	wrdreg s21  }
0x20: {  	s26 =	sadd.s32 $0xA0000, s14;
	s23 =	sadd.s32 $0xBE00, s2;
	[dreg:$0x1c] =	wrdreg s22  }
0x21: {  	s24 =	sadd.s32 $0xC800, s2;
	s30 =	sshrl.u32 s26, $0x3;
	[dreg:$0x1d] =	wrdreg s23  }
0x22: {  	s31 =	sadd.s32 $0x2800, s16;
	s2 =	simm.s32 $0x0;
	[dreg:$0x1e] =	wrdreg s24  }
0x23: {  	[smem:$0x7FC] =	sst s30;
	s0 =	sshrl.u32 s31, $0x3;
	s21 =	simm.s32 $0x4  }
0x24: {  	s22 =	simm.s32 $0x14500;
	s23 =	simm.s32 $0x50;
	[smem:$0x7FD] =	sst s0  }
.LBB2_1:
0x25: {  	[smem:$0x7FA] =	sst s2  }
0x26: {  	s0 =	simm.s32 $0x0;
	s1 =	rddreg [dreg:$0x8];
	s26 =	simm.s32 $0x1CF20  }
0x27: {  	[tilespmem:s26], [sflag:$0x4] =	stream.linear.gather [hbm4b:s1+s0], $0x2710, $0x38;
	[tilespmem:$0x1F630] =	vst v63  }
0x28: {  	s30 =	stileid.u32;
	_ =	swait.ge [sflag:s21], $0x2710  }
0x29: {  	s0 =	sshll.u32 s30, $0x6;
	s1 =	sshrl.u32 s14, $0x3;
	[sflag:s21] =	ssyncset.done $0x0  }
0x2a: {  	s4 =	sor.u32 $0x1C04, s0;
	s3 =	rddreg [dreg:$0x6];
	[sflag:s21] =	ssyncadd.s32 $0xFFFFD8F0  }
0x2b: {  	[spmem:s1], [sflag:s4] =	dma.local [hbm:s3], $0x1400  }
0x2c: {  	_ =	swait.ge [sflag:s21], $0x1400  }
0x2d: {  	[sflag:s21] =	ssyncset.done $0x0  }
0x2e: {  	s2 =	sshrl.u32 s16, $0x3;
	s5 =	rddreg [dreg:$0x7];
	[sflag:s21] =	ssyncadd.s32 $0xFFFFEC00  }
0x2f: {  	[spmem:s2], [sflag:s4] =	dma.local [hbm:s5], $0x50  }
0x30: {  	_ =	swait.ge [sflag:s21], $0x50  }
0x31: {  	s6 =	sld [smem:$0x7FC]  }
0x32: {  	[sflag:s21] =	ssyncset.done $0x0  }
0x33: {  	[sflag:s21] =	ssyncadd.s32 $0xFFFFFFB0  }
0x34: {  	[spmem:s6], [sflag:s4] =	dma.local [hbm:s3], $0x1400  }
0x35: {  	_ =	swait.ge [sflag:s21], $0x1400  }
0x36: {  	s31 =	sld [smem:$0x7FD]  }
0x37: {  	[sflag:s21] =	ssyncset.done $0x0  }
0x38: {  	[sflag:s21] =	ssyncadd.s32 $0xFFFFEC00  }
0x39: {  	[spmem:s31], [sflag:s4] =	dma.local [hbm:s5], $0x50  }
0x3a: {  	_ =	swait.ge [sflag:s21], $0x50  }
0x3b: {  	[sflag:s21] =	ssyncset.done $0x0  }
0x3c: {  	s5 =	rddreg [dreg:$0xd];
	[sflag:s21] =	ssyncadd.s32 $0xFFFFFFB0  }
0x3d: {  	[hbm:s5], [sflag:s4] =	dma.local [spmem:s1], $0x1400  }
0x3e: {  	_ =	swait.ge [sflag:s21], $0x1400  }
0x3f: {  	[sflag:s21] =	ssyncset.done $0x0  }
0x40: {  	s6 =	rddreg [dreg:$0x16];
	[sflag:s21] =	ssyncadd.s32 $0xFFFFEC00  }
0x41: {  	[hbm:s6], [sflag:s4] =	dma.local [spmem:s2], $0x50  }
0x42: {  	_ =	swait.ge [sflag:s21], $0x50  }
0x43: {  	[sflag:s21] =	ssyncset.done $0x0  }
0x44: {  	s8 =	rddreg [dreg:$0xe];
	[sflag:s21] =	ssyncadd.s32 $0xFFFFFFB0  }
0x45: {  	[hbm:s8], [sflag:s4] =	dma.local [spmem:s1], $0x1400  }
0x46: {  	_ =	swait.ge [sflag:s21], $0x1400  }
0x47: {  	[sflag:s21] =	ssyncset.done $0x0  }
0x48: {  	s9 =	rddreg [dreg:$0x17];
	[sflag:s21] =	ssyncadd.s32 $0xFFFFEC00  }
0x49: {  	[hbm:s9], [sflag:s4] =	dma.local [spmem:s2], $0x50  }
0x4a: {  	_ =	swait.ge [sflag:s21], $0x50  }
0x4b: {  	[sflag:s21] =	ssyncset.done $0x0  }
0x4c: {  	s10 =	rddreg [dreg:$0xf];
	[sflag:s21] =	ssyncadd.s32 $0xFFFFFFB0  }
0x4d: {  	[hbm:s10], [sflag:s4] =	dma.local [spmem:s1], $0x1400  }
0x4e: {  	_ =	swait.ge [sflag:s21], $0x1400  }
0x4f: {  	[sflag:s21] =	ssyncset.done $0x0  }
0x50: {  	s11 =	rddreg [dreg:$0x18];
	[sflag:s21] =	ssyncadd.s32 $0xFFFFEC00  }
0x51: {  	[hbm:s11], [sflag:s4] =	dma.local [spmem:s2], $0x50  }
0x52: {  	_ =	swait.ge [sflag:s21], $0x50  }
0x53: {  	[sflag:s21] =	ssyncset.done $0x0  }
0x54: {  	s12 =	rddreg [dreg:$0x10];
	[sflag:s21] =	ssyncadd.s32 $0xFFFFFFB0  }
0x55: {  	[hbm:s12], [sflag:s4] =	dma.local [spmem:s1], $0x1400  }
0x56: {  	_ =	swait.ge [sflag:s21], $0x1400  }
0x57: {  	[sflag:s21] =	ssyncset.done $0x0  }
0x58: {  	s13 =	rddreg [dreg:$0x19];
	[sflag:s21] =	ssyncadd.s32 $0xFFFFEC00  }
0x59: {  	[hbm:s13], [sflag:s4] =	dma.local [spmem:s2], $0x50  }
0x5a: {  	_ =	swait.ge [sflag:s21], $0x50  }
0x5b: {  	[sflag:s21] =	ssyncset.done $0x0  }
0x5c: {  	s15 =	rddreg [dreg:$0x11];
	[sflag:s21] =	ssyncadd.s32 $0xFFFFFFB0  }
0x5d: {  	[hbm:s15], [sflag:s4] =	dma.local [spmem:s1], $0x1400  }
0x5e: {  	_ =	swait.ge [sflag:s21], $0x1400  }
0x5f: {  	[sflag:s21] =	ssyncset.done $0x0  }
0x60: {  	s17 =	rddreg [dreg:$0x1a];
	[sflag:s21] =	ssyncadd.s32 $0xFFFFEC00  }
0x61: {  	[hbm:s17], [sflag:s4] =	dma.local [spmem:s2], $0x50  }
0x62: {  	_ =	swait.ge [sflag:s21], $0x50  }
0x63: {  	[sflag:s21] =	ssyncset.done $0x0  }
0x64: {  	s18 =	rddreg [dreg:$0x12];
	[sflag:s21] =	ssyncadd.s32 $0xFFFFFFB0  }
0x65: {  	[hbm:s18], [sflag:s4] =	dma.local [spmem:s1], $0x1400  }
0x66: {  	_ =	swait.ge [sflag:s21], $0x1400  }
0x67: {  	[sflag:s21] =	ssyncset.done $0x0  }
0x68: {  	s19 =	rddreg [dreg:$0x1b];
	[sflag:s21] =	ssyncadd.s32 $0xFFFFEC00  }
0x69: {  	[hbm:s19], [sflag:s4] =	dma.local [spmem:s2], $0x50  }
0x6a: {  	_ =	swait.ge [sflag:s21], $0x50  }
0x6b: {  	[sflag:s21] =	ssyncset.done $0x0  }
0x6c: {  	s20 =	rddreg [dreg:$0x13];
	[sflag:s21] =	ssyncadd.s32 $0xFFFFFFB0  }
0x6d: {  	[hbm:s20], [sflag:s4] =	dma.local [spmem:s1], $0x1400  }
0x6e: {  	_ =	swait.ge [sflag:s21], $0x1400  }
0x6f: {  	[sflag:s21] =	ssyncset.done $0x0  }
0x70: {  	s24 =	rddreg [dreg:$0x1c];
	[sflag:s21] =	ssyncadd.s32 $0xFFFFEC00  }
0x71: {  	[hbm:s24], [sflag:s4] =	dma.local [spmem:s2], $0x50  }
0x72: {  	_ =	swait.ge [sflag:s21], $0x50  }
0x73: {  	[sflag:s21] =	ssyncset.done $0x0  }
0x74: {  	s25 =	rddreg [dreg:$0x14];
	[sflag:s21] =	ssyncadd.s32 $0xFFFFFFB0  }
0x75: {  	[hbm:s25], [sflag:s4] =	dma.local [spmem:s1], $0x1400  }
0x76: {  	_ =	swait.ge [sflag:s21], $0x1400  }
0x77: {  	[sflag:s21] =	ssyncset.done $0x0  }
0x78: {  	s26 =	rddreg [dreg:$0x1d];
	[sflag:s21] =	ssyncadd.s32 $0xFFFFEC00  }
0x79: {  	[hbm:s26], [sflag:s4] =	dma.local [spmem:s2], $0x50  }
0x7a: {  	_ =	swait.ge [sflag:s21], $0x50  }
0x7b: {  	[sflag:s21] =	ssyncset.done $0x0  }
0x7c: {  	s30 =	rddreg [dreg:$0x15];
	[sflag:s21] =	ssyncadd.s32 $0xFFFFFFB0  }
0x7d: {  	[hbm:s30], [sflag:s4] =	dma.local [spmem:s1], $0x1400  }
0x7e: {  	_ =	swait.ge [sflag:s21], $0x1400  }
0x7f: {  	[sflag:s21] =	ssyncset.done $0x0  }
0x80: {  	s31 =	rddreg [dreg:$0x1e];
	[sflag:s21] =	ssyncadd.s32 $0xFFFFEC00  }
0x81: {  	[hbm:s31], [sflag:s4] =	dma.local [spmem:s2], $0x50  }
0x82: {  	_ =	swait.ge [sflag:s21], $0x50  }
0x83: {  	[sflag:s21] =	ssyncset.done $0x0  }
0x84: {  	[sflag:s21] =	ssyncadd.s32 $0xFFFFFFB0  }
0x85: {  	s5 =	simm.s32 $0x0;
	[bflag:$0x0] =	sbarrier.arrive $0xFFFF  }
.LBB2_2:
0x86: {  	p0 =	sgt.u32 s5, $0x1  }
0x87: {  	s1 =	simm.s32 @p0 $0x3  }
0x88: {  	s2 =	sand.u32 $0x1, s5;
	_ =	swait.ge @p0 [sflag:s1], $0x1400  }
0x89: {  	s3 =	smul.u32 $0x280000, s2;
	[sflag:s1] =	ssyncset.done @p0 $0x0  }
0x8a: {  	[sflag:s1] =	ssyncadd.s32 @p0 $0xFFFFEC00  }
0x8b: {  	s6 =	sshrl.u32 @p0 s3, $0x2;
	_ =	swait.ge @p0 [sflag:s1], $0x50  }
0x8c: {  	s10 =	smul.u32 @p0 $0xA000, s2;
	s6 =	sadd.s32 @p0 s6, s14;
	[sflag:s1] =	ssyncset.done @p0 $0x0  }
0x8d: {  	[sflag:s1] =	ssyncadd.s32 @p0 $0xFFFFFFB0;
	s1 =	sshrl.u32 @p0 s6, $0x3;
	s6 =	rddreg [dreg:$0x6]  }
0x8e: {  	[spmem:s1], [sflag:s4] =	dma.local @p0 [hbm:s6], $0x1400  }
0x8f: {  	s1 =	simm.s32 @p0 $0x4  }
0x90: {  	s6 =	sshrl.u32 @p0 s10, $0x2;
	_ =	swait.ge @p0 [sflag:s1], $0x1400  }
0x91: {  	s6 =	sadd.s32 @p0 s6, s16;
	[sflag:s1] =	ssyncset.done @p0 $0x0  }
0x92: {  	s6 =	sshrl.u32 @p0 s6, $0x3;
	s8 =	rddreg [dreg:$0x7];
	[sflag:s1] =	ssyncadd.s32 @p0 $0xFFFFEC00  }
0x93: {  	[spmem:s6], [sflag:s4] =	dma.local @p0 [hbm:s8], $0x50  }
0x94: {  	s11 =	smul.u32 $0x4E200, s5;
	_ =	swait.ge @p0 [sflag:s1], $0x50  }
0x95: {  	s20 =	simm.s32 $0x0;
	s18 =	rddreg [dreg:$0x1f]  }
0x96: {  	s25 =	simm.s32 $0x19320;
	s9 =	simm.s32 $0x1A720;
	s6 =	sadd.s32 s18, s11  }
0x97: {  	[sflag:s1] =	ssyncset.done @p0 $0x0;
	s19 =	rddreg [dreg:$0x5];
	s6 =	sshrl.u32 s6, $0x3  }
0x98: {  	s2 =	smul.u32 @!p0 $0xA000, s2;
	[sflag:s1] =	ssyncadd.s32 @p0 $0xFFFFFFB0;
	s1 =	sadd.s32 s19, s6  }
0x99: {  	[tilespmem:s22], [sflag:$0x4] =	stream.linear.gather [hbm4b:s1+s20], $0x2710, $0x38;
	[tilespmem:$0x1F630] =	vst v63  }
0x9a: {  	p1 =	por $0x0, $0x0;
	s31 =	simm.s32 $0x1;
	_ =	swait.ge [sflag:s21], $0x2710  }
0x9b: {  	s26 =	smul.u32 $0xAB, s20;
	s2 =	smov.u32 @p0 s10;
	[sflag:s21] =	ssyncset.done $0x0  }
0x9c: {  	s17 =	smul.u32 $0xAB, s31;
	s10 =	sshrl.u32 s2, $0x2;
	[sflag:s21] =	ssyncadd.s32 $0xFFFFD8F0  }
0x9d: {  	s11 =	simm.s32 $0x14550;
	s18 =	sshrl.u32 s3, $0x2;
	s24 =	rddreg [dreg:$0x1]  }
0x9e: {  	p0 =	por @!p1 $0x1, $0x1;
	s1 =	simm.s32 $0x16C10;
	s6 =	sadd.s32 s24, s6  }
0x9f: {  	[tilespmem:s1], [sflag:$0x4] =	stream.linear.gather [hbm4b:s6+s20], $0x2710, $0x38;
	[tilespmem:$0x1F630] =	vst v63  }
0xa0: {  	p0 =	por p0, p1;
	s6 =	sshrl.u32 s26, $0x9;
	_ =	swait.ge [sflag:s21], $0x2710  }
0xa1: {  	s24 =	simm.s32 $0x145A0;
	s12 =	sand.u32 $0x7F, s6;
	[sflag:s21] =	ssyncset.done $0x0  }
0xa2: {  	s6 =	simm.s32 $0x2;
	s3 =	smul.u32 $0x3, s12;
	[sflag:s21] =	ssyncadd.s32 $0xFFFFD8F0  }
0xa3: {  	s26 =	simm.s32 $0x1CF20;
	s2 =	smul.u32 @!p1 $0xAB, s6;
	[bflag:$0x0] =	sbarrier.arrive $0xFFFF  }
0xa4: {  	[tilespmem:s25], [sflag:$0x1] =	stream.indirect.gather [hbm4b:s7+s23], $0x40, s22, s23, $0xb8;
	[tilespmem:$0x1F630] =	vst v63  }
0xa5: {  	s20 =	simm.s32 $0x145F0;
	s3 =	ssub.s32 $0x0, s3;
	s13 =	rddreg [dreg:$0x2]  }
0xa6: {  	s2 =	sshrl.u32 @!p1 s2, $0x9;
	s15 =	rddreg [dreg:$0x3];
	s3 =	sand.u32 $0xFF, s3  }
0xa7: {  	s2 =	sand.u32 @!p1 $0x7F, s2;
	s25 =	simm.s32 $0x2;
	s3 =	smul.u32 $0x5000, s3  }
0xa8: {  	s30 =	sadd.s32 s18, s13;
	s19 =	sadd.s32 s10, s15;
	s6 =	smul.u32 @!p1 $0x3, s2  }
0xa9: {  	[tilespmem:s9], [sflag:$0x1] =	stream.indirect.gather [hbm4b:s7+s23], $0x40, s11, s23, $0xb8;
	[tilespmem:$0x1F630] =	vst v63  }
0xaa: {  	s2 =	simm.s32 $0x16C60;
	s11 =	sshrl.u32 s17, $0x9;
	s12 =	sshrl.u32 s3, $0x2  }
0xab: {  	s6 =	ssub.s32 @!p1 $0x2, s6;
	s3 =	simm.s32 $0x1CF70;
	_ =	swait.ge [sflag:s28], $0x1400  }
0xac: {  	s11 =	sand.u32 $0x7F, s11;
	s6 =	sand.u32 @!p1 $0xFF, s6;
	[sflag:s28] =	ssyncset.done $0x0  }
0xad: {  	s12 =	sadd.s32 $0x19320, s12;
	s6 =	smul.u32 @!p1 $0x5000, s6;
	[sflag:s28] =	ssyncadd.s32 $0xFFFFEC00  }
.LBB2_3:
0xae: {  	[spmem:s30] =	stream.indirect.scatter.add.f32 [tilespmem:s12], [sflag:$0x2], $0x40, s1, s23, $0xb8;
	[tilespmem:$0x1F630] =	vst v63  }
0xaf: {  	s12 =	smov.u32 s31  }
0xb0: {  	s31 =	smov.u32 s25;
	s13 =	smov.u32 s24;
	p3 =	por p1, p1  }
0xb1: {  	s25 =	sadd.s32 $0x1, s25;
	s11 =	smul.u32 $0x3, s11;
	s24 =	smov.u32 s20  }
0xb2: {  	[spmem:s19] =	stream.indirect.scatter.add.f32 [tilespmem:s26], [sflag:$0x2], $0x1, s1, s23, $0xb8;
	[tilespmem:$0x1F630] =	vst v63  }
0xb3: {  	p2 =	sne.s32 s25, $0x7D;
	s11 =	ssub.s32 s12, s11;
	s1 =	smov.u32 s2  }
0xb4: {  	s8 =	simm.s32 @!p0 $0x2;
	s15 =	sadd.s32 $0x2, s12;
	s11 =	sand.u32 $0xFF, s11  }
0xb5: {  	s26 =	smov.u32 s3;
	_ =	swait.ge @!p0 [sflag:s8], $0x1400  }
0xb6: {  	p1 =	sgt.u32 s12, $0x7A;
	s11 =	smul.u32 $0x5000, s11;
	[sflag:s8] =	ssyncset.done @!p0 $0x0  }
0xb7: {  	s9 =	smul.u32 @!p1 $0xAB, s15;
	s2 =	sadd.s32 $0x50, s2;
	[sflag:s8] =	ssyncadd.s32 @!p0 $0xFFFFEC00  }
0xb8: {  	s17 =	sshrl.u32 s11, $0x2;
	s11 =	simm.s32 @!p3 $0x50;
	_ =	swait.ge @!p0 [sflag:s8], $0x50  }
0xb9: {  	s6 =	sshrl.u32 @!p3 s6, $0x2;
	s9 =	sshrl.u32 @!p1 s9, $0x9;
	[sflag:s8] =	ssyncset.done @!p0 $0x0  }
0xba: {  	p4 =	seq.s32 @!p1 s12, $0x0;
	s9 =	sand.u32 @!p1 $0x7F, s9;
	[sflag:s8] =	ssyncadd.s32 @!p0 $0xFFFFFFB0  }
0xbb: {  	s6 =	sadd.s32 @!p3 $0x19320, s6;
	p0 =	por p4, p1;
	s8 =	smul.u32 @!p1 $0x3, s9  }
0xbc: {  	[tilespmem:s6], [sflag:$0x1] =	stream.indirect.gather @!p3 [hbm4b:s7+s11], $0x40, s13, s11, $0xb8;
	[tilespmem:$0x1F630] =	vst v63  }
.Ltmp0:
0xbd: {  	_ = 	snop;
	(pc) =	sbr.rel @p2 .LBB2_3-.Ltmp0, $4  }
0xbe: {  	s3 =	sadd.s32 $0x50, s3;
	s6 =	smul.u32 $0xAB, s31;
	s8 =	ssub.s32 @!p1 s15, s8  }
0xbf: {  	s20 =	sadd.s32 $0x50, s20;
	s8 =	sand.u32 @!p1 $0xFF, s8;
	_ =	swait.ge [sflag:s28], $0x1400  }
0xc0: {  	s9 =	sshrl.u32 s6, $0x9;
	s6 =	smul.u32 @!p1 $0x5000, s8;
	[sflag:s28] =	ssyncset.done $0x0  }
0xc1: {  	s12 =	sadd.s32 $0x19320, s17;
	s11 =	sand.u32 $0x7F, s9;
	[sflag:s28] =	ssyncadd.s32 $0xFFFFEC00  }
0xc2: {  	[spmem:s30] =	stream.indirect.scatter.add.f32 [tilespmem:s12], [sflag:$0x2], $0x40, s1, s23, $0xb8;
	[tilespmem:$0x1F630] =	vst v63  }
0xc3: {  	_ = 	snop  }
0xc4: {  	[spmem:s19] =	stream.indirect.scatter.add.f32 [tilespmem:s26], [sflag:$0x2], $0x1, s1, s23, $0xb8;
	[tilespmem:$0x1F630] =	vst v63  }
0xc5: {  	s1 =	simm.s32 @!p0 $0x2  }
0xc6: {  	_ =	swait.ge @!p0 [sflag:s1], $0x1400  }
0xc7: {  	[sflag:s1] =	ssyncset.done @!p0 $0x0  }
0xc8: {  	p1 =	por p1, p1;
	[sflag:s1] =	ssyncadd.s32 @!p0 $0xFFFFEC00  }
0xc9: {  	s8 =	smul.u32 $0x3, s11;
	s6 =	sshrl.u32 @!p1 s6, $0x2;
	_ =	swait.ge @!p0 [sflag:s1], $0x50  }
0xca: {  	s6 =	sadd.s32 @!p1 $0x19320, s6;
	[sflag:s1] =	ssyncset.done @!p0 $0x0  }
0xcb: {  	s8 =	ssub.s32 s31, s8;
	[sflag:s1] =	ssyncadd.s32 @!p0 $0xFFFFFFB0;
	s1 =	simm.s32 @!p1 $0x50  }
0xcc: {  	[tilespmem:s6], [sflag:$0x1] =	stream.indirect.gather @!p1 [hbm4b:s7+s1], $0x40, s24, s1, $0xb8;
	[tilespmem:$0x1F630] =	vst v63  }
0xcd: {  	s1 =	sand.u32 $0xFF, s8  }
0xce: {  	s1 =	smul.u32 $0x5000, s1  }
0xcf: {  	_ =	swait.ge [sflag:s28], $0x1400  }
0xd0: {  	[sflag:s28] =	ssyncset.done $0x0;
	s1 =	sshrl.u32 s1, $0x2  }
0xd1: {  	[sflag:s28] =	ssyncadd.s32 $0xFFFFEC00;
	s1 =	sadd.s32 $0x19320, s1  }
0xd2: {  	[spmem:s30] =	stream.indirect.scatter.add.f32 [tilespmem:s1], [sflag:$0x2], $0x40, s2, s23, $0xb8;
	[tilespmem:$0x1F630] =	vst v63  }
0xd3: {  	p0 =	sgt.u32 s31, $0x7A;
	s1 =	sadd.s32 $0x2, s31  }
0xd4: {  	s6 =	smul.u32 @!p0 $0xAB, s1  }
0xd5: {  	[spmem:s19] =	stream.indirect.scatter.add.f32 [tilespmem:s3], [sflag:$0x2], $0x1, s2, s23, $0xb8;
	[tilespmem:$0x1F630] =	vst v63  }
0xd6: {  	s2 =	sshrl.u32 @!p0 s6, $0x9  }
0xd7: {  	p1 =	seq.s32 @!p0 s31, $0x0;
	s2 =	sand.u32 @!p0 $0x7F, s2  }
0xd8: {  	p1 =	por p1, p0;
	s2 =	smul.u32 @!p0 $0x3, s2  }
0xd9: {  	s3 =	simm.s32 @!p1 $0x2  }
0xda: {  	_ =	swait.ge @!p1 [sflag:s3], $0x1400;
	s1 =	ssub.s32 @!p0 s1, s2  }
0xdb: {  	[sflag:s3] =	ssyncset.done @!p1 $0x0;
	s1 =	sand.u32 @!p0 $0xFF, s1  }
0xdc: {  	[sflag:s3] =	ssyncadd.s32 @!p1 $0xFFFFEC00;
	s1 =	smul.u32 @!p0 $0x5000, s1  }
0xdd: {  	_ =	swait.ge @!p1 [sflag:s3], $0x50;
	p0 =	por p0, p0  }
0xde: {  	[sflag:s3] =	ssyncset.done @!p1 $0x0;
	s1 =	sshrl.u32 @!p0 s1, $0x2  }
0xdf: {  	[sflag:s3] =	ssyncadd.s32 @!p1 $0xFFFFFFB0;
	s2 =	simm.s32 @!p0 $0x50;
	s1 =	sadd.s32 @!p0 $0x19320, s1  }
0xe0: {  	[tilespmem:s1], [sflag:$0x1] =	stream.indirect.gather @!p0 [hbm4b:s7+s2], $0x40, s20, s2, $0xb8;
	[tilespmem:$0x1F630] =	vst v63  }
0xe1: {  	_ =	swait.ge [sflag:s29], $0x1400  }
0xe2: {  	[sflag:s29] =	ssyncset.done $0x0  }
0xe3: {  	[sflag:s29] =	ssyncadd.s32 $0xFFFFEC00  }
0xe4: {  	_ =	swait.ge [sflag:s29], $0x50  }
0xe5: {  	s9 =	sadd.s32 $0xFFFFFFFD, s5;
	[sflag:s29] =	ssyncset.done $0x0  }
0xe6: {  	p5 =	slt.u32 s5, $0x4;
	s11 =	sshrl.u32 s9, $0x1F;
	[sflag:s29] =	ssyncadd.s32 $0xFFFFFFB0  }
0xe7: {  	s6 =	simm.s32 $0x1;
	s2 =	sadd.s32 s11, s9;
	_ =	swait.ge [sflag:s29], $0x1400  }
0xe8: {  	p1 =	slt.u32 s5, $0x9;
	s12 =	sand.u32 $0xFFFFFFFE, s2;
	[sflag:s29] =	ssyncset.done $0x0  }
0xe9: {  	s3 =	simm.s32 $0x1;
	p6 =	sne.s32 s9, s12;
	[sflag:s29] =	ssyncadd.s32 $0xFFFFEC00  }
0xea: {  	s6 =	simm.s32 @!p1 $0x0;
	p0 =	por !p5, !p6;
	_ =	swait.ge [sflag:s29], $0x50  }
0xeb: {  	s1 =	sand.u32 s9, s6;
	p0 =	por !p0, !p0;
	[sflag:s29] =	ssyncset.done $0x0  }
0xec: {  	s2 =	sshra.s32 s2, $0x1;
	s3 =	simm.s32 @!p0 $0x0;
	[sflag:s29] =	ssyncadd.s32 $0xFFFFFFB0  }
0xed: {  	p0 =	slt.u32 s5, $0x3;
	s2 =	ssub.s32 s2, s3;
	_ =	swait.ge [sflag:s29], $0x1400  }
0xee: {  	s3 =	sadd.s32 $0xFFFFFFFB, s5;
	s2 =	sadd.s32 $0x1, s2;
	[sflag:s29] =	ssyncset.done $0x0  }
0xef: {  	s1 =	smov.u32 @p0 s5;
	s3 =	smov.u32 @p1 s2;
	[sflag:s29] =	ssyncadd.s32 $0xFFFFEC00  }
0xf0: {  	s13 =	smul.u32 $0x140000, s1;
	s3 =	simm.s32 @p0 $0x0;
	_ =	swait.ge [sflag:s29], $0x50  }
0xf1: {  	s15 =	smul.u32 $0x3C0000, s3;
	[sflag:s29] =	ssyncset.done $0x0;
	s17 =	rddreg [dreg:$0xb]  }
0xf2: {  	s24 =	sor.u32 $0x1C03, s0;
	s2 =	sadd.s32 s13, s17;
	[sflag:s29] =	ssyncadd.s32 $0xFFFFFFB0  }
0xf3: {  	s19 =	sadd.s32 s18, s14;
	s2 =	sadd.s32 s15, s2;
	[bflag:$0x0] =	sbarrier.arrive $0xFFFF  }
0xf4: {  	s6 =	sshrl.u32 s19, $0x3;
	s2 =	sshrl.u32 s2, $0x3;
	s20 =	rddreg [dreg:$0x9]  }
0xf5: {  	s5 =	sadd.s32 $0x1, s5;
	s1 =	smul.u32 $0x5000, s1;
	s2 =	sadd.s32 s20, s2  }
0xf6: {  	[hbm:s2], [sflag:s24] =	dma.local [spmem:s6], $0x1400  }
0xf7: {  	p0 =	sne.s32 s5, $0xC;
	s25 =	smul.u32 $0xF000, s3;
	s26 =	rddreg [dreg:$0xc]  }
.Ltmp1:
0xf8: {  	s1 =	sadd.s32 s1, s26;
	(pc) =	sbr.rel @p0 .LBB2_2-.Ltmp1, $4  }
0xf9: {  	s1 =	sadd.s32 s25, s1  }
0xfa: {  	s30 =	sadd.s32 s10, s16;
	s31 =	rddreg [dreg:$0xa];
	s1 =	sshrl.u32 s1, $0x3  }
0xfb: {  	s2 =	sshrl.u32 s30, $0x3;
	s1 =	sadd.s32 s31, s1  }
0xfc: {  	[hbm:s1], [sflag:s24] =	dma.local [spmem:s2], $0x50  }
0xfd: {  	s1 =	simm.s32 $0x3  }
0xfe: {  	_ =	swait.ge [sflag:s1], $0x1400  }
0xff: {  	[sflag:s1] =	ssyncset.done $0x0  }
0x100: {  	[sflag:s1] =	ssyncadd.s32 $0xFFFFEC00  }
0x101: {  	_ =	swait.ge [sflag:s1], $0x50  }
0x102: {  	[sflag:s1] =	ssyncset.done $0x0  }
0x103: {  	[sflag:s1] =	ssyncadd.s32 $0xFFFFFFB0  }
0x104: {  	_ =	swait.ge [sflag:s1], $0x1400  }
0x105: {  	[sflag:s1] =	ssyncset.done $0x0  }
0x106: {  	[sflag:s1] =	ssyncadd.s32 $0xFFFFEC00  }
0x107: {  	_ =	swait.ge [sflag:s1], $0x50  }
0x108: {  	s2 =	sld [smem:$0x7FA]  }
0x109: {  	s0 =	sld [smem:$0x7FB];
	_ =	sdelay $0x1  }
0x10a: {  	s2 =	sadd.s32 $0x1, s2  }
0x10b: {  	p0 =	sne.s32 s2, s0  }
.Ltmp2:
0x10c: {  	_ = 	snop;
	(pc) =	sbr.rel @p0 .LBB2_1-.Ltmp2, $3  }
0x10d: {  	_ =	sdelay $0x1  }
0x10e: {  	[sflag:s1] =	ssyncset.done $0x0  }
0x10f: {  	[sflag:s1] =	ssyncadd.s32 $0xFFFFFFB0  }
0x110: {  	_ =	sfence.sel $0x180000  }
0x111: {  	[bflag:$0x0] =	sbarrier.arrive $0xFFFF  }
0x112: {  	_ =	strace $0x90000047  }
0x113: {  	s0 =	stileid.u32;
	[bflag:$0x2] =	sbarrier.arrive $0xFFFF  }
0x114: {  	p0 =	sne.s32 s0, $0x0;
	s0 =	rddreg [dreg:$0x4]  }
0x115: {  	s0 =	sadd.s32 @!p0 $0x100000, s0  }
0x116: {  	[sflag:s0] =	ssyncadd.tile.s32 @!p0 $0x1;
	_ =	shalt  }
.Lfunc_end2:
_tile_overlayer_lowered:
.L_overlay_start_2:
0x117: {  	(tag) =	ssettag $0x2  }
0x118: {  	s0 =	rddreg [dreg:$0x0];
	s2 =	stileid.u32  }
0x119: {  	s1 =	rddreg [dreg:$0x1];
	p0 =	sne.s32 s2, $0x0  }
0x11a: {  	s3 =	rddreg [dreg:$0x2];
	[bflag:$0x3] =	sbarrier.arrive $0xFFFF;
	s2 =	simm.s32 @!p0 $0x1C04  }
0x11b: {  	[timem:s3], [sflag:s2] =	dma.local @!p0 [hbm:s0], s1  }
0x11c: {  	s0 =	simm.s32 @!p0 $0x4  }
0x11d: {  	_ =	swait.ge @!p0 [sflag:s0], s1  }
0x11e: {  	s1 =	ssub.s32 @!p0 $0x0, s1;
	[sflag:s0] =	ssyncset.done @!p0 $0x0  }
0x11f: {  	[sflag:s0] =	ssyncadd.s32 @!p0 s1  }
0x120: {  	[bflag:$0x3] =	sbarrier.arrive $0xFFFF  }
0x121: {  	_ =	shalt  }

</sc_bundles>
